<compile_context>
chip_gen: v7x
topology: tpu7x:2x2x1
jax: 0.10.2.dev20260603
libtpu: 0.0.44.dev20260713+nightly
codegen_flags: <defaults>
</compile_context>

<pallas_src>
import functools

import jax
import jax.numpy as jnp
from jax import lax
from jax.experimental import pallas as pl
from jax.experimental.pallas import tpu as pltpu
from jax.experimental.pallas import tpu_sc as plsc

N_NODES = 10000
N_EDGES = 320000
N_IN = 128
N_HID = 256
N_LAT = 128

NC = 2
NS = 16
HALF = N_HID // 2
NPAD = 10240
PAD_NODE = 10050
CH = 80
NCHUNK = 2 * (-(-320000 // (NS * CH * 2)))
ECT = NCHUNK * CH
E_SPMM = NS * ECT
DCH = 128
E_PAD = 327680
DROWS = E_PAD // (NC * NS * DCH)
ACC_ROWS = 10112
SEG = ACC_ROWS // NS


def _deg_body(dst_hbm, out_hbm, didx, ones_v, zb_v, dacc):
    c = lax.axis_index("c")
    s = lax.axis_index("s")
    seg = NPAD // NS

    def zchunk(i, _):
        zb_v[pl.ds(i * 16, 16)] = jnp.zeros((16,), jnp.float32)
        return 0
    lax.fori_loop(0, seg // 16, zchunk, 0)

    def ochunk(i, _):
        ones_v[pl.ds(i * 16, 16)] = jnp.ones((16,), jnp.float32)
        return 0
    lax.fori_loop(0, DCH // 16, ochunk, 0)

    r0 = (c * NS + s) * DROWS
    pltpu.sync_copy(dst_hbm.at[pl.ds(r0, DROWS)], didx)
    pltpu.sync_copy(zb_v, dacc.at[pl.ds(s * seg, seg)])
    plsc.subcore_barrier()

    def chunk(j, _):
        pltpu.sync_copy(ones_v, dacc.at[didx.at[j]], add=True)
        return 0
    lax.fori_loop(0, DROWS, chunk, 0)

    plsc.subcore_barrier()
    pltpu.sync_copy(dacc.at[pl.ds(s * seg, seg)], out_hbm.at[c, pl.ds(s * seg, seg)])


def _spmm_body(src_hbm, dst_hbm, ta_hbm, tb_hbm, zeros_hbm, out_hbm,
               sidx0, sidx1, didx0, didx1, rows0, rows1, acc, semg0, semg1):
    c = lax.axis_index("c")
    s = lax.axis_index("s")

    pltpu.sync_copy(zeros_hbm, acc.at[pl.ds(s * SEG, SEG)])
    plsc.subcore_barrier()

    base = s * ECT

    def fetch_src(j, buf):
        pltpu.sync_copy(src_hbm.at[pl.ds(base + j * CH, CH)], buf)

    def fetch_dst(j, buf):
        pltpu.sync_copy(dst_hbm.at[pl.ds(base + j * CH, CH)], buf)

    def start_gather(buf, idx, sem):
        @pl.when(c == 0)
        def _():
            pltpu.make_async_copy(ta_hbm.at[idx], buf, sem).start()

        @pl.when(c == 1)
        def _():
            pltpu.make_async_copy(tb_hbm.at[idx], buf, sem).start()

    def wait_gather(buf, idx, sem):
        pltpu.make_async_copy(ta_hbm.at[idx], buf, sem).wait()

    fetch_src(0, sidx0)
    start_gather(rows0, sidx0, semg0)
    fetch_src(1, sidx1)
    start_gather(rows1, sidx1, semg1)

    def body(jj, _):
        j = jj * 2
        fetch_dst(j, didx0)
        wait_gather(rows0, sidx0, semg0)
        pltpu.sync_copy(rows0, acc.at[didx0], add=True)

        @pl.when(j + 2 < NCHUNK)
        def _():
            fetch_src(j + 2, sidx0)
            start_gather(rows0, sidx0, semg0)

        fetch_dst(j + 1, didx1)
        wait_gather(rows1, sidx1, semg1)
        pltpu.sync_copy(rows1, acc.at[didx1], add=True)

        @pl.when(j + 3 < NCHUNK)
        def _():
            fetch_src(j + 3, sidx1)
            start_gather(rows1, sidx1, semg1)
        return 0
    lax.fori_loop(0, NCHUNK // 2, body, 0)

    plsc.subcore_barrier()
    pltpu.sync_copy(acc.at[pl.ds(s * SEG, SEG)], out_hbm.at[c, pl.ds(s * SEG, SEG)])


@functools.lru_cache(maxsize=None)
def _sc_kernels():
    mesh = plsc.VectorSubcoreMesh(
        core_axis_name="c", subcore_axis_name="s", num_cores=NC, num_subcores=NS
    )
    deg = pl.kernel(
        _deg_body,
        out_type=jax.ShapeDtypeStruct((NC, NPAD), jnp.float32),
        mesh=mesh,
        scratch_types=[
            pltpu.VMEM((DROWS, DCH), jnp.int32),
            pltpu.VMEM((DCH,), jnp.float32),
            pltpu.VMEM((NPAD // NS,), jnp.float32),
            pltpu.VMEM_SHARED((NPAD,), jnp.float32),
        ],
    )
    spmm = pl.kernel(
        _spmm_body,
        out_type=jax.ShapeDtypeStruct((NC, NPAD, HALF), jnp.float32),
        mesh=mesh,
        scratch_types=[
            pltpu.VMEM((CH,), jnp.int32),
            pltpu.VMEM((CH,), jnp.int32),
            pltpu.VMEM((CH,), jnp.int32),
            pltpu.VMEM((CH,), jnp.int32),
            pltpu.VMEM((CH, HALF), jnp.float32),
            pltpu.VMEM((CH, HALF), jnp.float32),
            pltpu.VMEM_SHARED((ACC_ROWS, HALF), jnp.float32),
            pltpu.SemaphoreType.DMA,
            pltpu.SemaphoreType.DMA,
        ],
    )
    return deg, spmm


_RB = 1024


def _k1_body(x_ref, w_ref, b_ref, d0_ref, d1_ref, dinv_ref, ha_ref, hb_ref):
    deg = d0_ref[...] + d1_ref[...] + 1.0
    dinv = lax.rsqrt(deg)
    h = jnp.dot(x_ref[...], w_ref[...], preferred_element_type=jnp.float32)
    h = jnp.maximum(h + b_ref[...], 0.0)
    hp = h * dinv
    dinv_ref[...] = dinv
    ha_ref[...] = hp[:, :HALF]
    hb_ref[...] = hp[:, HALF:]


def _k1(x, w, b, d0, d1):
    g = NPAD // _RB
    return pl.pallas_call(
        _k1_body,
        grid=(g,),
        in_specs=[
            pl.BlockSpec((_RB, N_IN), lambda i: (i, 0)),
            pl.BlockSpec((N_IN, N_HID), lambda i: (0, 0)),
            pl.BlockSpec((1, N_HID), lambda i: (0, 0)),
            pl.BlockSpec((_RB, 1), lambda i: (i, 0)),
            pl.BlockSpec((_RB, 1), lambda i: (i, 0)),
        ],
        out_specs=[
            pl.BlockSpec((_RB, 1), lambda i: (i, 0)),
            pl.BlockSpec((_RB, HALF), lambda i: (i, 0)),
            pl.BlockSpec((_RB, HALF), lambda i: (i, 0)),
        ],
        out_shape=[
            jax.ShapeDtypeStruct((NPAD, 1), jnp.float32),
            jax.ShapeDtypeStruct((NPAD, HALF), jnp.float32),
            jax.ShapeDtypeStruct((NPAD, HALF), jnp.float32),
        ],
    )(x, w, b, d0, d1)


def _k3_body(sa_ref, sb_ref, ha_ref, hb_ref, dinv_ref, w_ref, b_ref, oa_ref, ob_ref):
    dinv = dinv_ref[...]
    h1 = jnp.concatenate(
        [(sa_ref[0] + ha_ref[...]) * dinv, (sb_ref[0] + hb_ref[...]) * dinv],
        axis=1,
    )
    h2 = jnp.dot(h1, w_ref[...], preferred_element_type=jnp.float32)
    h2 = jnp.maximum(h2 + b_ref[...], 0.0) * dinv
    oa_ref[...] = h2[:, :HALF]
    ob_ref[...] = h2[:, HALF:]


def _k3(sagg, ha, hb, dinv, w, b):
    g = NPAD // _RB
    half_spec = pl.BlockSpec((_RB, HALF), lambda i: (i, 0))
    sa_spec = pl.BlockSpec((1, _RB, HALF), lambda i: (0, i, 0))
    sb_spec = pl.BlockSpec((1, _RB, HALF), lambda i: (1, i, 0))
    return pl.pallas_call(
        _k3_body,
        grid=(g,),
        in_specs=[
            sa_spec, sb_spec, half_spec, half_spec,
            pl.BlockSpec((_RB, 1), lambda i: (i, 0)),
            pl.BlockSpec((N_HID, N_HID), lambda i: (0, 0)),
            pl.BlockSpec((1, N_HID), lambda i: (0, 0)),
        ],
        out_specs=[half_spec, half_spec],
        out_shape=[
            jax.ShapeDtypeStruct((NPAD, HALF), jnp.float32),
            jax.ShapeDtypeStruct((NPAD, HALF), jnp.float32),
        ],
    )(sagg, sagg, ha, hb, dinv, w, b)


def _k4_body(sa_ref, sb_ref, ha_ref, hb_ref, dinv_ref, wm_ref, bm_ref,
             wl_ref, bl_ref, mu_ref, ls_ref):
    dinv = dinv_ref[...]
    h2 = jnp.concatenate(
        [(sa_ref[0] + ha_ref[...]) * dinv, (sb_ref[0] + hb_ref[...]) * dinv],
        axis=1,
    )
    mu_ref[...] = jnp.dot(h2, wm_ref[...], preferred_element_type=jnp.float32) + bm_ref[...]
    ls_ref[...] = jnp.dot(h2, wl_ref[...], preferred_element_type=jnp.float32) + bl_ref[...]


def _k4(sagg, ha, hb, dinv, wm, bm, wl, bl):
    g = NPAD // _RB
    half_spec = pl.BlockSpec((_RB, HALF), lambda i: (i, 0))
    sa_spec = pl.BlockSpec((1, _RB, HALF), lambda i: (0, i, 0))
    sb_spec = pl.BlockSpec((1, _RB, HALF), lambda i: (1, i, 0))
    lat_spec = pl.BlockSpec((_RB, N_LAT), lambda i: (i, 0))
    return pl.pallas_call(
        _k4_body,
        grid=(g,),
        in_specs=[
            sa_spec, sb_spec, half_spec, half_spec,
            pl.BlockSpec((_RB, 1), lambda i: (i, 0)),
            pl.BlockSpec((N_HID, N_LAT), lambda i: (0, 0)),
            pl.BlockSpec((1, N_LAT), lambda i: (0, 0)),
            pl.BlockSpec((N_HID, N_LAT), lambda i: (0, 0)),
            pl.BlockSpec((1, N_LAT), lambda i: (0, 0)),
        ],
        out_specs=[lat_spec, lat_spec],
        out_shape=[
            jax.ShapeDtypeStruct((N_NODES, N_LAT), jnp.float32),
            jax.ShapeDtypeStruct((N_NODES, N_LAT), jnp.float32),
        ],
    )(sagg, sagg, ha, hb, dinv, wm, bm, wl, bl)


def kernel(x, edge_index, W_fc, b_fc, W1, b1, W_mu, b_mu, W_ls, b_ls):
    _deg_sc, _spmm_sc = _sc_kernels()

    if E_SPMM == N_EDGES:
        src = edge_index[0]
        dst = edge_index[1]
    else:
        pad_s = jnp.full((E_SPMM - N_EDGES,), PAD_NODE, dtype=edge_index.dtype)
        src = jnp.concatenate([edge_index[0], pad_s])
        dst = jnp.concatenate([edge_index[1], pad_s])
    pad_d = jnp.full((E_PAD - N_EDGES,), PAD_NODE, dtype=edge_index.dtype)
    dst2d = jnp.concatenate([edge_index[1], pad_d]).reshape(E_PAD // DCH, DCH)

    d = _deg_sc(dst2d)
    d0 = d[0].reshape(NPAD, 1)
    d1 = d[1].reshape(NPAD, 1)

    zseg = jnp.zeros((SEG, HALF), dtype=jnp.float32)
    dinv, hpa, hpb = _k1(x, W_fc, b_fc.reshape(1, -1), d0, d1)
    s1 = _spmm_sc(src, dst, hpa, hpb, zseg)
    h2pa, h2pb = _k3(s1, hpa, hpb, dinv, W1, b1.reshape(1, -1))
    s2 = _spmm_sc(src, dst, h2pa, h2pb, zseg)
    mu, ls = _k4(s2, h2pa, h2pb, dinv,
                 W_mu, b_mu.reshape(1, -1), W_ls, b_ls.reshape(1, -1))
    return (mu, ls)

# --- scband reference (transcript-rebuilt; emitter-appended) ---
"""Pipeline reference for scband-encoder-22119081575136 (READ-ONLY COPY).

The authoritative reference and input builder live on the scoring server;
editing this copy changes nothing except your own understanding.
"""

import jax, jax.numpy as jnp
import numpy as np

N_NODES = 10000
N_EDGES = 320000
N_IN = 128
N_HID = 256
N_LAT = 128


def setup_inputs(seed: int = 0) -> dict:
    key = jax.random.key(seed)
    ks = jax.random.split(key, 12)
    x = jax.random.normal(ks[0], (N_NODES, N_IN), dtype=jnp.float32)
    edge_index = jax.random.randint(ks[1], (2, N_EDGES), 0, N_NODES, dtype=jnp.int32)
    # Learned parameters (fc_l + three GCNConv layers: conv_l1, conv_mu, conv_logstd)
    W_fc = jax.random.normal(ks[2], (N_IN, N_HID), dtype=jnp.float32) / np.sqrt(N_IN)
    b_fc = jnp.zeros((N_HID,), dtype=jnp.float32)
    W1 = jax.random.normal(ks[3], (N_HID, N_HID), dtype=jnp.float32) / np.sqrt(N_HID)
    b1 = jnp.zeros((N_HID,), dtype=jnp.float32)
    W_mu = jax.random.normal(ks[4], (N_HID, N_LAT), dtype=jnp.float32) / np.sqrt(N_HID)
    b_mu = jnp.zeros((N_LAT,), dtype=jnp.float32)
    W_ls = jax.random.normal(ks[5], (N_HID, N_LAT), dtype=jnp.float32) / np.sqrt(N_HID)
    b_ls = jnp.zeros((N_LAT,), dtype=jnp.float32)
    return {"x": x, "edge_index": edge_index, "W_fc": W_fc, "b_fc": b_fc,
            "W1": W1, "b1": b1, "W_mu": W_mu, "b_mu": b_mu, "W_ls": W_ls, "b_ls": b_ls}


def _gcn_conv(h, src, dst, norm, W, b):
    # GCNConv (Kipf & Welling): x' = D^-1/2 (A + I) D^-1/2 (X W) + b
    h = h @ W
    msg = h[src] * norm[:, None]
    out = jnp.zeros((N_NODES, W.shape[1]), dtype=h.dtype).at[dst].add(msg)
    return out + b


def reference(x, edge_index, W_fc, b_fc, W1, b1, W_mu, b_mu, W_ls, b_ls):
    loop = jnp.arange(N_NODES, dtype=edge_index.dtype)
    src = jnp.concatenate([edge_index[0], loop])
    dst = jnp.concatenate([edge_index[1], loop])
    deg = jnp.zeros((N_NODES,), dtype=jnp.float32).at[dst].add(1.0)
    deg_inv_sqrt = jnp.where(deg > 0, 1.0 / jnp.sqrt(deg), 0.0)
    norm = deg_inv_sqrt[src] * deg_inv_sqrt[dst]
    # fc_l + activation (dropout_rate=0 -> identity)
    hidden = jax.nn.relu(x @ W_fc + b_fc)
    # n_layers == 2 -> conv_l1 + activation
    hidden = jax.nn.relu(_gcn_conv(hidden, src, dst, norm, W1, b1))
    mu = _gcn_conv(hidden, src, dst, norm, W_mu, b_mu)
    logstd = _gcn_conv(hidden, src, dst, norm, W_ls, b_ls)
    return (mu, logstd)

if __name__ == "__main__":
    import jax
    _d = setup_inputs()
    print(jax.jit(kernel)(*tuple(_d.values())))

</pallas_src>

<mosaic_0001>
#map = affine_map<(d0, d1) -> (0, 0)>
module attributes {stable_mosaic.version = 14 : i64} {
  func.func @_deg_body(%arg0: i32, %arg1: i32, %arg2: memref<2560x128xi32, #tpu.memory_space<hbm>>, %arg3: memref<2x10240xf32, #tpu.memory_space<hbm>>, %arg4: memref<80x128xi32, #tpu.memory_space<vmem>>, %arg5: memref<128xf32, #tpu.memory_space<vmem>>, %arg6: memref<640xf32, #tpu.memory_space<vmem>>, %arg7: memref<10240xf32, #tpu.memory_space<vmem_shared>>) attributes {dimension_semantics = [#tpu.dimension_semantics<core_parallel>, #tpu.dimension_semantics<subcore_parallel>], iteration_bounds = array<i64: 2, 16>, scalar_prefetch = 0 : i64, scratch_operands = 4 : i64, tpu.core_type = #tpu.core_type<sc_vector_subcore>, window_params = [{transform_indices = #map}, {transform_indices = #map}]} {
    %scan3A = arith.constant 0 : i32
    %scan3A_0 = arith.constant 0 : i32
    %scan3A_1 = arith.constant 40 : i32
    %scan3A_2 = arith.addi %scan3A_0, %scan3A_1 : i32
    %scan3A_3 = arith.constant 1 : i32
    %scan3A_4 = scf.for %scan3A_30 = %scan3A_0 to %scan3A_2 step %scan3A_3 iter_args(%scan3A_31 = %scan3A) -> (i32)  : i32 {
      %broadcast_in_dim3A = arith.constant 0.000000e+00 : f32
      %broadcast_in_dim3A_32 = vector.broadcast %broadcast_in_dim3A : f32 to vector<16xf32>
      %mul3A_33 = arith.constant 16 : i32
      %mul3A_34 = arith.muli %scan3A_30, %mul3A_33 : i32
      %swap3A = arith.index_cast %mul3A_34 : i32 to index
      %swap3A_35 = tpu.vector_load %arg6[%swap3A] {strides = array<i32>} : memref<640xf32, #tpu.memory_space<vmem>>, vector<16xf32>,
      %swap3A_36 = vector.shape_cast %swap3A_35 : vector<16xf32> to vector<16xf32>
      %swap3A_37 = vector.shape_cast %broadcast_in_dim3A_32 : vector<16xf32> to vector<16xf32>
      tpu.vector_store %arg6[%swap3A], %swap3A_37 {strides = array<i32>} : memref<640xf32, #tpu.memory_space<vmem>>, vector<16xf32>,
      %scan3A_38 = arith.constant 0 : i32
      scf.yield %scan3A_38 : i32
    }
    %scan3A_5 = arith.constant 40 : i32
    %scan3A_6 = arith.constant 0 : i32
    %scan3A_7 = arith.constant 0 : i32
    %scan3A_8 = arith.constant 8 : i32
    %scan3A_9 = arith.addi %scan3A_7, %scan3A_8 : i32
    %scan3A_10 = arith.constant 1 : i32
    %scan3A_11 = scf.for %scan3A_30 = %scan3A_7 to %scan3A_9 step %scan3A_10 iter_args(%scan3A_31 = %scan3A_6) -> (i32)  : i32 {
      %broadcast_in_dim3A = arith.constant 1.000000e+00 : f32
      %broadcast_in_dim3A_32 = vector.broadcast %broadcast_in_dim3A : f32 to vector<16xf32>
      %mul3A_33 = arith.constant 16 : i32
      %mul3A_34 = arith.muli %scan3A_30, %mul3A_33 : i32
      %swap3A = arith.index_cast %mul3A_34 : i32 to index
      %swap3A_35 = tpu.vector_load %arg5[%swap3A] {strides = array<i32>} : memref<128xf32, #tpu.memory_space<vmem>>, vector<16xf32>,
      %swap3A_36 = vector.shape_cast %swap3A_35 : vector<16xf32> to vector<16xf32>
      %swap3A_37 = vector.shape_cast %broadcast_in_dim3A_32 : vector<16xf32> to vector<16xf32>
      tpu.vector_store %arg5[%swap3A], %swap3A_37 {strides = array<i32>} : memref<128xf32, #tpu.memory_space<vmem>>, vector<16xf32>,
      %scan3A_38 = arith.constant 0 : i32
      scf.yield %scan3A_38 : i32
    }
    %scan3A_12 = arith.constant 8 : i32
    %mul3A = arith.constant 16 : i32
    %mul3A_13 = arith.muli %arg0, %mul3A : i32
    %add3A = arith.addi %mul3A_13, %arg1 : i32
    %mul3A_14 = arith.constant 80 : i32
    %mul3A_15 = arith.muli %add3A, %mul3A_14 : i32
    "tpu.region"() ({
      %run_scoped3A = tpu.sem_alloc : memref<!tpu.dma_semaphore, #tpu.memory_space<semaphore_mem>>
      %dma_start3A = arith.constant 0 : i32
      %dma_start3A_30 = tpu.memref_slice %arg2[%mul3A_15, %dma_start3A] : memref<2560x128xi32, #tpu.memory_space<hbm>> -> memref<80x128xi32, #tpu.memory_space<hbm>>
      %dma_start3A_31 = arith.constant 0 : i32
      %dma_start3A_32 = tpu.memref_slice %arg2[%mul3A_15, %dma_start3A_31] : memref<2560x128xi32, #tpu.memory_space<hbm>> -> memref<80x128xi32, #tpu.memory_space<hbm>>
      tpu.enqueue_dma source(%dma_start3A_32 : memref<80x128xi32, #tpu.memory_space<hbm>>) target(%arg4 : memref<80x128xi32, #tpu.memory_space<vmem>>) target_semaphore(%run_scoped3A : memref<!tpu.dma_semaphore, #tpu.memory_space<semaphore_mem>>)
      %dma_wait3A = arith.constant 0 : i32
      %dma_wait3A_33 = tpu.memref_slice %arg2[%mul3A_15, %dma_wait3A] : memref<2560x128xi32, #tpu.memory_space<hbm>> -> memref<80x128xi32, #tpu.memory_space<hbm>>
      %dma_wait3A_34 = arith.constant 0 : i32
      %dma_wait3A_35 = tpu.memref_slice %arg2[%mul3A_15, %dma_wait3A_34] : memref<2560x128xi32, #tpu.memory_space<hbm>> -> memref<80x128xi32, #tpu.memory_space<hbm>>
      tpu.wait_dma2 semaphore(%run_scoped3A : memref<!tpu.dma_semaphore, #tpu.memory_space<semaphore_mem>>) src(%dma_wait3A_35 : memref<80x128xi32, #tpu.memory_space<hbm>>) dst(%arg4 : memref<80x128xi32, #tpu.memory_space<vmem>>)
      tpu.yield
    }) : () -> ()
    %mul3A_16 = arith.constant 640 : i32
    %mul3A_17 = arith.muli %arg1, %mul3A_16 : i32
    "tpu.region"() ({
      %run_scoped3A = tpu.sem_alloc : memref<!tpu.dma_semaphore, #tpu.memory_space<semaphore_mem>>
      %dma_start3A = tpu.memref_slice %arg7[%mul3A_17] : memref<10240xf32, #tpu.memory_space<vmem_shared>> -> memref<640xf32, #tpu.memory_space<vmem_shared>>
      %dma_start3A_30 = tpu.memref_slice %arg7[%mul3A_17] : memref<10240xf32, #tpu.memory_space<vmem_shared>> -> memref<640xf32, #tpu.memory_space<vmem_shared>>
      tpu.enqueue_dma source(%arg6 : memref<640xf32, #tpu.memory_space<vmem>>) target(%dma_start3A_30 : memref<640xf32, #tpu.memory_space<vmem_shared>>) target_semaphore(%run_scoped3A : memref<!tpu.dma_semaphore, #tpu.memory_space<semaphore_mem>>)
      %dma_wait3A = tpu.memref_slice %arg7[%mul3A_17] : memref<10240xf32, #tpu.memory_space<vmem_shared>> -> memref<640xf32, #tpu.memory_space<vmem_shared>>
      %dma_wait3A_31 = tpu.memref_slice %arg7[%mul3A_17] : memref<10240xf32, #tpu.memory_space<vmem_shared>> -> memref<640xf32, #tpu.memory_space<vmem_shared>>
      tpu.wait_dma2 semaphore(%run_scoped3A : memref<!tpu.dma_semaphore, #tpu.memory_space<semaphore_mem>>) src(%arg6 : memref<640xf32, #tpu.memory_space<vmem>>) dst(%dma_wait3A_31 : memref<640xf32, #tpu.memory_space<vmem_shared>>)
      tpu.yield
    }) : () -> ()
    %barrier3A = arith.constant 0 : index
    tpu.barrier barrier_id(%barrier3A)
    %scan3A_18 = arith.constant 0 : i32
    %scan3A_19 = arith.constant 0 : i32
    %scan3A_20 = arith.constant 80 : i32
    %scan3A_21 = arith.addi %scan3A_19, %scan3A_20 : i32
    %scan3A_22 = arith.constant 1 : i32
    %scan3A_23 = scf.for %scan3A_30 = %scan3A_19 to %scan3A_21 step %scan3A_22 iter_args(%scan3A_31 = %scan3A_18) -> (i32)  : i32 {
      "tpu.region"() ({
        %run_scoped3A = tpu.sem_alloc : memref<!tpu.dma_semaphore, #tpu.memory_space<semaphore_mem>>
        %dma_start3A = arith.constant 0 : i32
        %dma_start3A_33 = tpu.memref_slice %arg4[%scan3A_30, %dma_start3A] : memref<80x128xi32, #tpu.memory_space<vmem>> -> memref<1x128xi32, #tpu.memory_space<vmem>>
        %dma_start3A_34 = tpu.memref_squeeze %dma_start3A_33 : memref<1x128xi32, #tpu.memory_space<vmem>> -> memref<128xi32, #tpu.memory_space<vmem>>
        %dma_start3A_35 = arith.constant 0 : i32
        %dma_start3A_36 = tpu.memref_slice %arg7[%dma_start3A_35] : memref<10240xf32, #tpu.memory_space<vmem_shared>> -> memref<10240xf32, #tpu.memory_space<vmem_shared>>
        tpu.enqueue_indirect_dma source(%arg5 : memref<128xf32, #tpu.memory_space<vmem>>) target(%dma_start3A_36 : memref<10240xf32, #tpu.memory_space<vmem_shared>>) offsets(%dma_start3A_34 : memref<128xi32, #tpu.memory_space<vmem>>) semaphore(%run_scoped3A : memref<!tpu.dma_semaphore, #tpu.memory_space<semaphore_mem>>) {add = true}
        %dma_wait3A = arith.constant 0 : i32
        %dma_wait3A_37 = tpu.memref_slice %arg4[%scan3A_30, %dma_wait3A] : memref<80x128xi32, #tpu.memory_space<vmem>> -> memref<1x128xi32, #tpu.memory_space<vmem>>
        %dma_wait3A_38 = tpu.memref_squeeze %dma_wait3A_37 : memref<1x128xi32, #tpu.memory_space<vmem>> -> memref<128xi32, #tpu.memory_space<vmem>>
        %dma_wait3A_39 = arith.constant 0 : i32
        %dma_wait3A_40 = tpu.memref_slice %arg7[%dma_wait3A_39] : memref<10240xf32, #tpu.memory_space<vmem_shared>> -> memref<10240xf32, #tpu.memory_space<vmem_shared>>
        tpu.wait_indirect_dma semaphore(%run_scoped3A : memref<!tpu.dma_semaphore, #tpu.memory_space<semaphore_mem>>) src(%arg5 : memref<128xf32, #tpu.memory_space<vmem>>) dst(%dma_wait3A_40 : memref<10240xf32, #tpu.memory_space<vmem_shared>>)
        tpu.yield
      }) : () -> ()
      %scan3A_32 = arith.constant 0 : i32
      scf.yield %scan3A_32 : i32
    }
    %scan3A_24 = arith.constant 80 : i32
    %barrier3A_25 = arith.constant 0 : index
    tpu.barrier barrier_id(%barrier3A_25)
    %mul3A_26 = arith.constant 640 : i32
    %mul3A_27 = arith.muli %arg1, %mul3A_26 : i32
    %mul3A_28 = arith.constant 640 : i32
    %mul3A_29 = arith.muli %arg1, %mul3A_28 : i32
    "tpu.region"() ({
      %run_scoped3A = tpu.sem_alloc : memref<!tpu.dma_semaphore, #tpu.memory_space<semaphore_mem>>
      %dma_start3A = tpu.memref_slice %arg3[%arg0, %mul3A_29] : memref<2x10240xf32, #tpu.memory_space<hbm>> -> memref<1x640xf32, #tpu.memory_space<hbm>>
      %dma_start3A_30 = tpu.memref_squeeze %dma_start3A : memref<1x640xf32, #tpu.memory_space<hbm>> -> memref<640xf32, #tpu.memory_space<hbm>>
      %dma_start3A_31 = tpu.memref_slice %arg7[%mul3A_27] : memref<10240xf32, #tpu.memory_space<vmem_shared>> -> memref<640xf32, #tpu.memory_space<vmem_shared>>
      tpu.enqueue_dma source(%dma_start3A_31 : memref<640xf32, #tpu.memory_space<vmem_shared>>) target(%dma_start3A_30 : memref<640xf32, #tpu.memory_space<hbm>>) target_semaphore(%run_scoped3A : memref<!tpu.dma_semaphore, #tpu.memory_space<semaphore_mem>>)
      %dma_wait3A = tpu.memref_slice %arg3[%arg0, %mul3A_29] : memref<2x10240xf32, #tpu.memory_space<hbm>> -> memref<1x640xf32, #tpu.memory_space<hbm>>
      %dma_wait3A_32 = tpu.memref_squeeze %dma_wait3A : memref<1x640xf32, #tpu.memory_space<hbm>> -> memref<640xf32, #tpu.memory_space<hbm>>
      %dma_wait3A_33 = tpu.memref_slice %arg7[%mul3A_27] : memref<10240xf32, #tpu.memory_space<vmem_shared>> -> memref<640xf32, #tpu.memory_space<vmem_shared>>
      tpu.wait_dma2 semaphore(%run_scoped3A : memref<!tpu.dma_semaphore, #tpu.memory_space<semaphore_mem>>) src(%dma_wait3A_33 : memref<640xf32, #tpu.memory_space<vmem_shared>>) dst(%dma_wait3A_32 : memref<640xf32, #tpu.memory_space<hbm>>)
      tpu.yield
    }) : () -> ()
    return
  }
}

#map = affine_map<(d0, d1) -> (0)>
#map1 = affine_map<(d0, d1) -> (0, 0)>
#map2 = affine_map<(d0, d1) -> (0, 0, 0)>
module attributes {stable_mosaic.version = 14 : i64} {
  func.func @_spmm_body(%arg0: i32, %arg1: i32, %arg2: memref<320000xi32, #tpu.memory_space<hbm>>, %arg3: memref<320000xi32, #tpu.memory_space<hbm>>, %arg4: memref<10240x128xf32, #tpu.memory_space<hbm>>, %arg5: memref<10240x128xf32, #tpu.memory_space<hbm>>, %arg6: memref<632x128xf32, #tpu.memory_space<hbm>>, %arg7: memref<2x10240x128xf32, #tpu.memory_space<hbm>>, %arg8: memref<80xi32, #tpu.memory_space<vmem>>, %arg9: memref<80xi32, #tpu.memory_space<vmem>>, %arg10: memref<80xi32, #tpu.memory_space<vmem>>, %arg11: memref<80xi32, #tpu.memory_space<vmem>>, %arg12: memref<80x128xf32, #tpu.memory_space<vmem>>, %arg13: memref<80x128xf32, #tpu.memory_space<vmem>>, %arg14: memref<10112x128xf32, #tpu.memory_space<vmem_shared>>, %arg15: memref<!tpu.dma_semaphore, #tpu.memory_space<semaphore_mem>>, %arg16: memref<!tpu.dma_semaphore, #tpu.memory_space<semaphore_mem>>) attributes {dimension_semantics = [#tpu.dimension_semantics<core_parallel>, #tpu.dimension_semantics<subcore_parallel>], iteration_bounds = array<i64: 2, 16>, scalar_prefetch = 0 : i64, scratch_operands = 9 : i64, tpu.core_type = #tpu.core_type<sc_vector_subcore>, window_params = [{transform_indices = #map}, {transform_indices = #map}, {transform_indices = #map1}, {transform_indices = #map1}, {transform_indices = #map1}, {transform_indices = #map2}]} {
    %mul3A = arith.constant 632 : i32
    %mul3A_0 = arith.muli %arg1, %mul3A : i32
    "tpu.region"() ({
      %run_scoped3A = tpu.sem_alloc : memref<!tpu.dma_semaphore, #tpu.memory_space<semaphore_mem>>
      %dma_start3A = arith.constant 0 : i32
      %dma_start3A_34 = tpu.memref_slice %arg14[%mul3A_0, %dma_start3A] : memref<10112x128xf32, #tpu.memory_space<vmem_shared>> -> memref<632x128xf32, #tpu.memory_space<vmem_shared>>
      tpu.enqueue_dma source(%arg6 : memref<632x128xf32, #tpu.memory_space<hbm>>) target(%dma_start3A_34 : memref<632x128xf32, #tpu.memory_space<vmem_shared>>) target_semaphore(%run_scoped3A : memref<!tpu.dma_semaphore, #tpu.memory_space<semaphore_mem>>)
      %dma_wait3A = arith.constant 0 : i32
      %dma_wait3A_35 = tpu.memref_slice %arg14[%mul3A_0, %dma_wait3A] : memref<10112x128xf32, #tpu.memory_space<vmem_shared>> -> memref<632x128xf32, #tpu.memory_space<vmem_shared>>
      tpu.wait_dma2 semaphore(%run_scoped3A : memref<!tpu.dma_semaphore, #tpu.memory_space<semaphore_mem>>) src(%arg6 : memref<632x128xf32, #tpu.memory_space<hbm>>) dst(%dma_wait3A_35 : memref<632x128xf32, #tpu.memory_space<vmem_shared>>)
      tpu.yield
    }) : () -> ()
    %barrier3A = arith.constant 0 : index
    tpu.barrier barrier_id(%barrier3A)
    %mul3A_1 = arith.constant 20000 : i32
    %mul3A_2 = arith.muli %arg1, %mul3A_1 : i32
    %add3A = arith.constant 0 : i32
    %add3A_3 = arith.addi %mul3A_2, %add3A : i32
    "tpu.region"() ({
      %run_scoped3A = tpu.sem_alloc : memref<!tpu.dma_semaphore, #tpu.memory_space<semaphore_mem>>
      %dma_start3A = tpu.memref_slice %arg2[%add3A_3] : memref<320000xi32, #tpu.memory_space<hbm>> -> memref<80xi32, #tpu.memory_space<hbm>>
      %dma_start3A_34 = tpu.memref_slice %arg2[%add3A_3] : memref<320000xi32, #tpu.memory_space<hbm>> -> memref<80xi32, #tpu.memory_space<hbm>>
      tpu.enqueue_dma source(%dma_start3A_34 : memref<80xi32, #tpu.memory_space<hbm>>) target(%arg8 : memref<80xi32, #tpu.memory_space<vmem>>) target_semaphore(%run_scoped3A : memref<!tpu.dma_semaphore, #tpu.memory_space<semaphore_mem>>)
      %dma_wait3A = tpu.memref_slice %arg2[%add3A_3] : memref<320000xi32, #tpu.memory_space<hbm>> -> memref<80xi32, #tpu.memory_space<hbm>>
      %dma_wait3A_35 = tpu.memref_slice %arg2[%add3A_3] : memref<320000xi32, #tpu.memory_space<hbm>> -> memref<80xi32, #tpu.memory_space<hbm>>
      tpu.wait_dma2 semaphore(%run_scoped3A : memref<!tpu.dma_semaphore, #tpu.memory_space<semaphore_mem>>) src(%dma_wait3A_35 : memref<80xi32, #tpu.memory_space<hbm>>) dst(%arg8 : memref<80xi32, #tpu.memory_space<vmem>>)
      tpu.yield
    }) : () -> ()
    %eq3A = arith.constant 0 : i32
    %eq3A_4 = arith.cmpi eq, %arg0, %eq3A : i32
    %convert_element_type3A = arith.extui %eq3A_4 : i1 to i32
    %cond3A = arith.constant 0 : i32
    %cond3A_5 = arith.cmpi ne, %convert_element_type3A, %cond3A : i32
    scf.if %cond3A_5 {
      %dma_start3A = arith.constant 0 : i32
      %dma_start3A_34 = arith.constant 0 : i32
      %dma_start3A_35 = tpu.memref_slice %arg4[%dma_start3A, %dma_start3A_34] : memref<10240x128xf32, #tpu.memory_space<hbm>> -> memref<10240x128xf32, #tpu.memory_space<hbm>>
      tpu.enqueue_indirect_dma source(%dma_start3A_35 : memref<10240x128xf32, #tpu.memory_space<hbm>>) target(%arg12 : memref<80x128xf32, #tpu.memory_space<vmem>>) offsets(%arg8 : memref<80xi32, #tpu.memory_space<vmem>>) semaphore(%arg15 : memref<!tpu.dma_semaphore, #tpu.memory_space<semaphore_mem>>)
    } else {
    }
    %eq3A_6 = arith.constant 1 : i32
    %eq3A_7 = arith.cmpi eq, %arg0, %eq3A_6 : i32
    %convert_element_type3A_8 = arith.extui %eq3A_7 : i1 to i32
    %cond3A_9 = arith.constant 0 : i32
    %cond3A_10 = arith.cmpi ne, %convert_element_type3A_8, %cond3A_9 : i32
    scf.if %cond3A_10 {
      %dma_start3A = arith.constant 0 : i32
      %dma_start3A_34 = arith.constant 0 : i32
      %dma_start3A_35 = tpu.memref_slice %arg5[%dma_start3A, %dma_start3A_34] : memref<10240x128xf32, #tpu.memory_space<hbm>> -> memref<10240x128xf32, #tpu.memory_space<hbm>>
      tpu.enqueue_indirect_dma source(%dma_start3A_35 : memref<10240x128xf32, #tpu.memory_space<hbm>>) target(%arg12 : memref<80x128xf32, #tpu.memory_space<vmem>>) offsets(%arg8 : memref<80xi32, #tpu.memory_space<vmem>>) semaphore(%arg15 : memref<!tpu.dma_semaphore, #tpu.memory_space<semaphore_mem>>)
    } else {
    }
    %add3A_11 = arith.constant 80 : i32
    %add3A_12 = arith.addi %mul3A_2, %add3A_11 : i32
    "tpu.region"() ({
      %run_scoped3A = tpu.sem_alloc : memref<!tpu.dma_semaphore, #tpu.memory_space<semaphore_mem>>
      %dma_start3A = tpu.memref_slice %arg2[%add3A_12] : memref<320000xi32, #tpu.memory_space<hbm>> -> memref<80xi32, #tpu.memory_space<hbm>>
      %dma_start3A_34 = tpu.memref_slice %arg2[%add3A_12] : memref<320000xi32, #tpu.memory_space<hbm>> -> memref<80xi32, #tpu.memory_space<hbm>>
      tpu.enqueue_dma source(%dma_start3A_34 : memref<80xi32, #tpu.memory_space<hbm>>) target(%arg9 : memref<80xi32, #tpu.memory_space<vmem>>) target_semaphore(%run_scoped3A : memref<!tpu.dma_semaphore, #tpu.memory_space<semaphore_mem>>)
      %dma_wait3A = tpu.memref_slice %arg2[%add3A_12] : memref<320000xi32, #tpu.memory_space<hbm>> -> memref<80xi32, #tpu.memory_space<hbm>>
      %dma_wait3A_35 = tpu.memref_slice %arg2[%add3A_12] : memref<320000xi32, #tpu.memory_space<hbm>> -> memref<80xi32, #tpu.memory_space<hbm>>
      tpu.wait_dma2 semaphore(%run_scoped3A : memref<!tpu.dma_semaphore, #tpu.memory_space<semaphore_mem>>) src(%dma_wait3A_35 : memref<80xi32, #tpu.memory_space<hbm>>) dst(%arg9 : memref<80xi32, #tpu.memory_space<vmem>>)
      tpu.yield
    }) : () -> ()
    %eq3A_13 = arith.constant 0 : i32
    %eq3A_14 = arith.cmpi eq, %arg0, %eq3A_13 : i32
    %convert_element_type3A_15 = arith.extui %eq3A_14 : i1 to i32
    %cond3A_16 = arith.constant 0 : i32
    %cond3A_17 = arith.cmpi ne, %convert_element_type3A_15, %cond3A_16 : i32
    scf.if %cond3A_17 {
      %dma_start3A = arith.constant 0 : i32
      %dma_start3A_34 = arith.constant 0 : i32
      %dma_start3A_35 = tpu.memref_slice %arg4[%dma_start3A, %dma_start3A_34] : memref<10240x128xf32, #tpu.memory_space<hbm>> -> memref<10240x128xf32, #tpu.memory_space<hbm>>
      tpu.enqueue_indirect_dma source(%dma_start3A_35 : memref<10240x128xf32, #tpu.memory_space<hbm>>) target(%arg13 : memref<80x128xf32, #tpu.memory_space<vmem>>) offsets(%arg9 : memref<80xi32, #tpu.memory_space<vmem>>) semaphore(%arg16 : memref<!tpu.dma_semaphore, #tpu.memory_space<semaphore_mem>>)
    } else {
    }
    %eq3A_18 = arith.constant 1 : i32
    %eq3A_19 = arith.cmpi eq, %arg0, %eq3A_18 : i32
    %convert_element_type3A_20 = arith.extui %eq3A_19 : i1 to i32
    %cond3A_21 = arith.constant 0 : i32
    %cond3A_22 = arith.cmpi ne, %convert_element_type3A_20, %cond3A_21 : i32
    scf.if %cond3A_22 {
      %dma_start3A = arith.constant 0 : i32
      %dma_start3A_34 = arith.constant 0 : i32
      %dma_start3A_35 = tpu.memref_slice %arg5[%dma_start3A, %dma_start3A_34] : memref<10240x128xf32, #tpu.memory_space<hbm>> -> memref<10240x128xf32, #tpu.memory_space<hbm>>
      tpu.enqueue_indirect_dma source(%dma_start3A_35 : memref<10240x128xf32, #tpu.memory_space<hbm>>) target(%arg13 : memref<80x128xf32, #tpu.memory_space<vmem>>) offsets(%arg9 : memref<80xi32, #tpu.memory_space<vmem>>) semaphore(%arg16 : memref<!tpu.dma_semaphore, #tpu.memory_space<semaphore_mem>>)
    } else {
    }
    %scan3A = arith.constant 0 : i32
    %scan3A_23 = arith.constant 0 : i32
    %scan3A_24 = arith.constant 125 : i32
    %scan3A_25 = arith.addi %scan3A_23, %scan3A_24 : i32
    %scan3A_26 = arith.constant 1 : i32
    %scan3A_27 = scf.for %scan3A_34 = %scan3A_23 to %scan3A_25 step %scan3A_26 iter_args(%scan3A_35 = %scan3A) -> (i32)  : i32 {
      %mul3A_36 = arith.constant 2 : i32
      %mul3A_37 = arith.muli %scan3A_34, %mul3A_36 : i32
      %mul3A_38 = arith.constant 80 : i32
      %mul3A_39 = arith.muli %mul3A_37, %mul3A_38 : i32
      %add3A_40 = arith.addi %mul3A_2, %mul3A_39 : i32
      "tpu.region"() ({
        %run_scoped3A = tpu.sem_alloc : memref<!tpu.dma_semaphore, #tpu.memory_space<semaphore_mem>>
        %dma_start3A = tpu.memref_slice %arg3[%add3A_40] : memref<320000xi32, #tpu.memory_space<hbm>> -> memref<80xi32, #tpu.memory_space<hbm>>
        %dma_start3A_65 = tpu.memref_slice %arg3[%add3A_40] : memref<320000xi32, #tpu.memory_space<hbm>> -> memref<80xi32, #tpu.memory_space<hbm>>
        tpu.enqueue_dma source(%dma_start3A_65 : memref<80xi32, #tpu.memory_space<hbm>>) target(%arg10 : memref<80xi32, #tpu.memory_space<vmem>>) target_semaphore(%run_scoped3A : memref<!tpu.dma_semaphore, #tpu.memory_space<semaphore_mem>>)
        %dma_wait3A_66 = tpu.memref_slice %arg3[%add3A_40] : memref<320000xi32, #tpu.memory_space<hbm>> -> memref<80xi32, #tpu.memory_space<hbm>>
        %dma_wait3A_67 = tpu.memref_slice %arg3[%add3A_40] : memref<320000xi32, #tpu.memory_space<hbm>> -> memref<80xi32, #tpu.memory_space<hbm>>
        tpu.wait_dma2 semaphore(%run_scoped3A : memref<!tpu.dma_semaphore, #tpu.memory_space<semaphore_mem>>) src(%dma_wait3A_67 : memref<80xi32, #tpu.memory_space<hbm>>) dst(%arg10 : memref<80xi32, #tpu.memory_space<vmem>>)
        tpu.yield
      }) : () -> ()
      %dma_wait3A = arith.constant 0 : i32
      %dma_wait3A_41 = arith.constant 0 : i32
      %dma_wait3A_42 = tpu.memref_slice %arg4[%dma_wait3A, %dma_wait3A_41] : memref<10240x128xf32, #tpu.memory_space<hbm>> -> memref<10240x128xf32, #tpu.memory_space<hbm>>
      tpu.wait_indirect_dma semaphore(%arg15 : memref<!tpu.dma_semaphore, #tpu.memory_space<semaphore_mem>>) src(%dma_wait3A_42 : memref<10240x128xf32, #tpu.memory_space<hbm>>) dst(%arg12 : memref<80x128xf32, #tpu.memory_space<vmem>>)
      "tpu.region"() ({
        %run_scoped3A = tpu.sem_alloc : memref<!tpu.dma_semaphore, #tpu.memory_space<semaphore_mem>>
        %dma_start3A = arith.constant 0 : i32
        %dma_start3A_65 = arith.constant 0 : i32
        %dma_start3A_66 = tpu.memref_slice %arg14[%dma_start3A, %dma_start3A_65] : memref<10112x128xf32, #tpu.memory_space<vmem_shared>> -> memref<10112x128xf32, #tpu.memory_space<vmem_shared>>
        tpu.enqueue_indirect_dma source(%arg12 : memref<80x128xf32, #tpu.memory_space<vmem>>) target(%dma_start3A_66 : memref<10112x128xf32, #tpu.memory_space<vmem_shared>>) offsets(%arg10 : memref<80xi32, #tpu.memory_space<vmem>>) semaphore(%run_scoped3A : memref<!tpu.dma_semaphore, #tpu.memory_space<semaphore_mem>>) {add = true}
        %dma_wait3A_67 = arith.constant 0 : i32
        %dma_wait3A_68 = arith.constant 0 : i32
        %dma_wait3A_69 = tpu.memref_slice %arg14[%dma_wait3A_67, %dma_wait3A_68] : memref<10112x128xf32, #tpu.memory_space<vmem_shared>> -> memref<10112x128xf32, #tpu.memory_space<vmem_shared>>
        tpu.wait_indirect_dma semaphore(%run_scoped3A : memref<!tpu.dma_semaphore, #tpu.memory_space<semaphore_mem>>) src(%arg12 : memref<80x128xf32, #tpu.memory_space<vmem>>) dst(%dma_wait3A_69 : memref<10112x128xf32, #tpu.memory_space<vmem_shared>>)
        tpu.yield
      }) : () -> ()
      %add3A_43 = arith.constant 2 : i32
      %add3A_44 = arith.addi %mul3A_37, %add3A_43 : i32
      %lt3A = arith.constant 250 : i32
      %lt3A_45 = arith.cmpi slt, %add3A_44, %lt3A : i32
      %convert_element_type3A_46 = arith.extui %lt3A_45 : i1 to i32
      %cond3A_47 = arith.constant 0 : i32
      %cond3A_48 = arith.cmpi ne, %convert_element_type3A_46, %cond3A_47 : i32
      scf.if %cond3A_48 {
        %add3A_65 = arith.constant 2 : i32
        %add3A_66 = arith.addi %mul3A_37, %add3A_65 : i32
        %mul3A_67 = arith.constant 80 : i32
        %mul3A_68 = arith.muli %add3A_66, %mul3A_67 : i32
        %add3A_69 = arith.addi %mul3A_2, %mul3A_68 : i32
        "tpu.region"() ({
          %run_scoped3A = tpu.sem_alloc : memref<!tpu.dma_semaphore, #tpu.memory_space<semaphore_mem>>
          %dma_start3A = tpu.memref_slice %arg2[%add3A_69] : memref<320000xi32, #tpu.memory_space<hbm>> -> memref<80xi32, #tpu.memory_space<hbm>>
          %dma_start3A_80 = tpu.memref_slice %arg2[%add3A_69] : memref<320000xi32, #tpu.memory_space<hbm>> -> memref<80xi32, #tpu.memory_space<hbm>>
          tpu.enqueue_dma source(%dma_start3A_80 : memref<80xi32, #tpu.memory_space<hbm>>) target(%arg8 : memref<80xi32, #tpu.memory_space<vmem>>) target_semaphore(%run_scoped3A : memref<!tpu.dma_semaphore, #tpu.memory_space<semaphore_mem>>)
          %dma_wait3A_81 = tpu.memref_slice %arg2[%add3A_69] : memref<320000xi32, #tpu.memory_space<hbm>> -> memref<80xi32, #tpu.memory_space<hbm>>
          %dma_wait3A_82 = tpu.memref_slice %arg2[%add3A_69] : memref<320000xi32, #tpu.memory_space<hbm>> -> memref<80xi32, #tpu.memory_space<hbm>>
          tpu.wait_dma2 semaphore(%run_scoped3A : memref<!tpu.dma_semaphore, #tpu.memory_space<semaphore_mem>>) src(%dma_wait3A_82 : memref<80xi32, #tpu.memory_space<hbm>>) dst(%arg8 : memref<80xi32, #tpu.memory_space<vmem>>)
          tpu.yield
        }) : () -> ()
        %eq3A_70 = arith.constant 0 : i32
        %eq3A_71 = arith.cmpi eq, %arg0, %eq3A_70 : i32
        %convert_element_type3A_72 = arith.extui %eq3A_71 : i1 to i32
        %cond3A_73 = arith.constant 0 : i32
        %cond3A_74 = arith.cmpi ne, %convert_element_type3A_72, %cond3A_73 : i32
        scf.if %cond3A_74 {
          %dma_start3A = arith.constant 0 : i32
          %dma_start3A_80 = arith.constant 0 : i32
          %dma_start3A_81 = tpu.memref_slice %arg4[%dma_start3A, %dma_start3A_80] : memref<10240x128xf32, #tpu.memory_space<hbm>> -> memref<10240x128xf32, #tpu.memory_space<hbm>>
          tpu.enqueue_indirect_dma source(%dma_start3A_81 : memref<10240x128xf32, #tpu.memory_space<hbm>>) target(%arg12 : memref<80x128xf32, #tpu.memory_space<vmem>>) offsets(%arg8 : memref<80xi32, #tpu.memory_space<vmem>>) semaphore(%arg15 : memref<!tpu.dma_semaphore, #tpu.memory_space<semaphore_mem>>)
        } else {
        }
        %eq3A_75 = arith.constant 1 : i32
        %eq3A_76 = arith.cmpi eq, %arg0, %eq3A_75 : i32
        %convert_element_type3A_77 = arith.extui %eq3A_76 : i1 to i32
        %cond3A_78 = arith.constant 0 : i32
        %cond3A_79 = arith.cmpi ne, %convert_element_type3A_77, %cond3A_78 : i32
        scf.if %cond3A_79 {
          %dma_start3A = arith.constant 0 : i32
          %dma_start3A_80 = arith.constant 0 : i32
          %dma_start3A_81 = tpu.memref_slice %arg5[%dma_start3A, %dma_start3A_80] : memref<10240x128xf32, #tpu.memory_space<hbm>> -> memref<10240x128xf32, #tpu.memory_space<hbm>>
          tpu.enqueue_indirect_dma source(%dma_start3A_81 : memref<10240x128xf32, #tpu.memory_space<hbm>>) target(%arg12 : memref<80x128xf32, #tpu.memory_space<vmem>>) offsets(%arg8 : memref<80xi32, #tpu.memory_space<vmem>>) semaphore(%arg15 : memref<!tpu.dma_semaphore, #tpu.memory_space<semaphore_mem>>)
        } else {
        }
      } else {
      }
      %add3A_49 = arith.constant 1 : i32
      %add3A_50 = arith.addi %mul3A_37, %add3A_49 : i32
      %mul3A_51 = arith.constant 80 : i32
      %mul3A_52 = arith.muli %add3A_50, %mul3A_51 : i32
      %add3A_53 = arith.addi %mul3A_2, %mul3A_52 : i32
      "tpu.region"() ({
        %run_scoped3A = tpu.sem_alloc : memref<!tpu.dma_semaphore, #tpu.memory_space<semaphore_mem>>
        %dma_start3A = tpu.memref_slice %arg3[%add3A_53] : memref<320000xi32, #tpu.memory_space<hbm>> -> memref<80xi32, #tpu.memory_space<hbm>>
        %dma_start3A_65 = tpu.memref_slice %arg3[%add3A_53] : memref<320000xi32, #tpu.memory_space<hbm>> -> memref<80xi32, #tpu.memory_space<hbm>>
        tpu.enqueue_dma source(%dma_start3A_65 : memref<80xi32, #tpu.memory_space<hbm>>) target(%arg11 : memref<80xi32, #tpu.memory_space<vmem>>) target_semaphore(%run_scoped3A : memref<!tpu.dma_semaphore, #tpu.memory_space<semaphore_mem>>)
        %dma_wait3A_66 = tpu.memref_slice %arg3[%add3A_53] : memref<320000xi32, #tpu.memory_space<hbm>> -> memref<80xi32, #tpu.memory_space<hbm>>
        %dma_wait3A_67 = tpu.memref_slice %arg3[%add3A_53] : memref<320000xi32, #tpu.memory_space<hbm>> -> memref<80xi32, #tpu.memory_space<hbm>>
        tpu.wait_dma2 semaphore(%run_scoped3A : memref<!tpu.dma_semaphore, #tpu.memory_space<semaphore_mem>>) src(%dma_wait3A_67 : memref<80xi32, #tpu.memory_space<hbm>>) dst(%arg11 : memref<80xi32, #tpu.memory_space<vmem>>)
        tpu.yield
      }) : () -> ()
      %dma_wait3A_54 = arith.constant 0 : i32
      %dma_wait3A_55 = arith.constant 0 : i32
      %dma_wait3A_56 = tpu.memref_slice %arg4[%dma_wait3A_54, %dma_wait3A_55] : memref<10240x128xf32, #tpu.memory_space<hbm>> -> memref<10240x128xf32, #tpu.memory_space<hbm>>
      tpu.wait_indirect_dma semaphore(%arg16 : memref<!tpu.dma_semaphore, #tpu.memory_space<semaphore_mem>>) src(%dma_wait3A_56 : memref<10240x128xf32, #tpu.memory_space<hbm>>) dst(%arg13 : memref<80x128xf32, #tpu.memory_space<vmem>>)
      "tpu.region"() ({
        %run_scoped3A = tpu.sem_alloc : memref<!tpu.dma_semaphore, #tpu.memory_space<semaphore_mem>>
        %dma_start3A = arith.constant 0 : i32
        %dma_start3A_65 = arith.constant 0 : i32
        %dma_start3A_66 = tpu.memref_slice %arg14[%dma_start3A, %dma_start3A_65] : memref<10112x128xf32, #tpu.memory_space<vmem_shared>> -> memref<10112x128xf32, #tpu.memory_space<vmem_shared>>
        tpu.enqueue_indirect_dma source(%arg13 : memref<80x128xf32, #tpu.memory_space<vmem>>) target(%dma_start3A_66 : memref<10112x128xf32, #tpu.memory_space<vmem_shared>>) offsets(%arg11 : memref<80xi32, #tpu.memory_space<vmem>>) semaphore(%run_scoped3A : memref<!tpu.dma_semaphore, #tpu.memory_space<semaphore_mem>>) {add = true}
        %dma_wait3A_67 = arith.constant 0 : i32
        %dma_wait3A_68 = arith.constant 0 : i32
        %dma_wait3A_69 = tpu.memref_slice %arg14[%dma_wait3A_67, %dma_wait3A_68] : memref<10112x128xf32, #tpu.memory_space<vmem_shared>> -> memref<10112x128xf32, #tpu.memory_space<vmem_shared>>
        tpu.wait_indirect_dma semaphore(%run_scoped3A : memref<!tpu.dma_semaphore, #tpu.memory_space<semaphore_mem>>) src(%arg13 : memref<80x128xf32, #tpu.memory_space<vmem>>) dst(%dma_wait3A_69 : memref<10112x128xf32, #tpu.memory_space<vmem_shared>>)
        tpu.yield
      }) : () -> ()
      %add3A_57 = arith.constant 3 : i32
      %add3A_58 = arith.addi %mul3A_37, %add3A_57 : i32
      %lt3A_59 = arith.constant 250 : i32
      %lt3A_60 = arith.cmpi slt, %add3A_58, %lt3A_59 : i32
      %convert_element_type3A_61 = arith.extui %lt3A_60 : i1 to i32
      %cond3A_62 = arith.constant 0 : i32
      %cond3A_63 = arith.cmpi ne, %convert_element_type3A_61, %cond3A_62 : i32
      scf.if %cond3A_63 {
        %add3A_65 = arith.constant 3 : i32
        %add3A_66 = arith.addi %mul3A_37, %add3A_65 : i32
        %mul3A_67 = arith.constant 80 : i32
        %mul3A_68 = arith.muli %add3A_66, %mul3A_67 : i32
        %add3A_69 = arith.addi %mul3A_2, %mul3A_68 : i32
        "tpu.region"() ({
          %run_scoped3A = tpu.sem_alloc : memref<!tpu.dma_semaphore, #tpu.memory_space<semaphore_mem>>
          %dma_start3A = tpu.memref_slice %arg2[%add3A_69] : memref<320000xi32, #tpu.memory_space<hbm>> -> memref<80xi32, #tpu.memory_space<hbm>>
          %dma_start3A_80 = tpu.memref_slice %arg2[%add3A_69] : memref<320000xi32, #tpu.memory_space<hbm>> -> memref<80xi32, #tpu.memory_space<hbm>>
          tpu.enqueue_dma source(%dma_start3A_80 : memref<80xi32, #tpu.memory_space<hbm>>) target(%arg9 : memref<80xi32, #tpu.memory_space<vmem>>) target_semaphore(%run_scoped3A : memref<!tpu.dma_semaphore, #tpu.memory_space<semaphore_mem>>)
          %dma_wait3A_81 = tpu.memref_slice %arg2[%add3A_69] : memref<320000xi32, #tpu.memory_space<hbm>> -> memref<80xi32, #tpu.memory_space<hbm>>
          %dma_wait3A_82 = tpu.memref_slice %arg2[%add3A_69] : memref<320000xi32, #tpu.memory_space<hbm>> -> memref<80xi32, #tpu.memory_space<hbm>>
          tpu.wait_dma2 semaphore(%run_scoped3A : memref<!tpu.dma_semaphore, #tpu.memory_space<semaphore_mem>>) src(%dma_wait3A_82 : memref<80xi32, #tpu.memory_space<hbm>>) dst(%arg9 : memref<80xi32, #tpu.memory_space<vmem>>)
          tpu.yield
        }) : () -> ()
        %eq3A_70 = arith.constant 0 : i32
        %eq3A_71 = arith.cmpi eq, %arg0, %eq3A_70 : i32
        %convert_element_type3A_72 = arith.extui %eq3A_71 : i1 to i32
        %cond3A_73 = arith.constant 0 : i32
        %cond3A_74 = arith.cmpi ne, %convert_element_type3A_72, %cond3A_73 : i32
        scf.if %cond3A_74 {
          %dma_start3A = arith.constant 0 : i32
          %dma_start3A_80 = arith.constant 0 : i32
          %dma_start3A_81 = tpu.memref_slice %arg4[%dma_start3A, %dma_start3A_80] : memref<10240x128xf32, #tpu.memory_space<hbm>> -> memref<10240x128xf32, #tpu.memory_space<hbm>>
          tpu.enqueue_indirect_dma source(%dma_start3A_81 : memref<10240x128xf32, #tpu.memory_space<hbm>>) target(%arg13 : memref<80x128xf32, #tpu.memory_space<vmem>>) offsets(%arg9 : memref<80xi32, #tpu.memory_space<vmem>>) semaphore(%arg16 : memref<!tpu.dma_semaphore, #tpu.memory_space<semaphore_mem>>)
        } else {
        }
        %eq3A_75 = arith.constant 1 : i32
        %eq3A_76 = arith.cmpi eq, %arg0, %eq3A_75 : i32
        %convert_element_type3A_77 = arith.extui %eq3A_76 : i1 to i32
        %cond3A_78 = arith.constant 0 : i32
        %cond3A_79 = arith.cmpi ne, %convert_element_type3A_77, %cond3A_78 : i32
        scf.if %cond3A_79 {
          %dma_start3A = arith.constant 0 : i32
          %dma_start3A_80 = arith.constant 0 : i32
          %dma_start3A_81 = tpu.memref_slice %arg5[%dma_start3A, %dma_start3A_80] : memref<10240x128xf32, #tpu.memory_space<hbm>> -> memref<10240x128xf32, #tpu.memory_space<hbm>>
          tpu.enqueue_indirect_dma source(%dma_start3A_81 : memref<10240x128xf32, #tpu.memory_space<hbm>>) target(%arg13 : memref<80x128xf32, #tpu.memory_space<vmem>>) offsets(%arg9 : memref<80xi32, #tpu.memory_space<vmem>>) semaphore(%arg16 : memref<!tpu.dma_semaphore, #tpu.memory_space<semaphore_mem>>)
        } else {
        }
      } else {
      }
      %scan3A_64 = arith.constant 0 : i32
      scf.yield %scan3A_64 : i32
    }
    %scan3A_28 = arith.constant 125 : i32
    %barrier3A_29 = arith.constant 0 : index
    tpu.barrier barrier_id(%barrier3A_29)
    %mul3A_30 = arith.constant 632 : i32
    %mul3A_31 = arith.muli %arg1, %mul3A_30 : i32
    %mul3A_32 = arith.constant 632 : i32
    %mul3A_33 = arith.muli %arg1, %mul3A_32 : i32
    "tpu.region"() ({
      %run_scoped3A = tpu.sem_alloc : memref<!tpu.dma_semaphore, #tpu.memory_space<semaphore_mem>>
      %dma_start3A = arith.constant 0 : i32
      %dma_start3A_34 = tpu.memref_slice %arg7[%arg0, %mul3A_33, %dma_start3A] : memref<2x10240x128xf32, #tpu.memory_space<hbm>> -> memref<1x632x128xf32, #tpu.memory_space<hbm>>
      %dma_start3A_35 = tpu.memref_squeeze %dma_start3A_34 : memref<1x632x128xf32, #tpu.memory_space<hbm>> -> memref<632x128xf32, #tpu.memory_space<hbm>>
      %dma_start3A_36 = arith.constant 0 : i32
      %dma_start3A_37 = tpu.memref_slice %arg14[%mul3A_31, %dma_start3A_36] : memref<10112x128xf32, #tpu.memory_space<vmem_shared>> -> memref<632x128xf32, #tpu.memory_space<vmem_shared>>
      tpu.enqueue_dma source(%dma_start3A_37 : memref<632x128xf32, #tpu.memory_space<vmem_shared>>) target(%dma_start3A_35 : memref<632x128xf32, #tpu.memory_space<hbm>>) target_semaphore(%run_scoped3A : memref<!tpu.dma_semaphore, #tpu.memory_space<semaphore_mem>>)
      %dma_wait3A = arith.constant 0 : i32
      %dma_wait3A_38 = tpu.memref_slice %arg7[%arg0, %mul3A_33, %dma_wait3A] : memref<2x10240x128xf32, #tpu.memory_space<hbm>> -> memref<1x632x128xf32, #tpu.memory_space<hbm>>
      %dma_wait3A_39 = tpu.memref_squeeze %dma_wait3A_38 : memref<1x632x128xf32, #tpu.memory_space<hbm>> -> memref<632x128xf32, #tpu.memory_space<hbm>>
      %dma_wait3A_40 = arith.constant 0 : i32
      %dma_wait3A_41 = tpu.memref_slice %arg14[%mul3A_31, %dma_wait3A_40] : memref<10112x128xf32, #tpu.memory_space<vmem_shared>> -> memref<632x128xf32, #tpu.memory_space<vmem_shared>>
      tpu.wait_dma2 semaphore(%run_scoped3A : memref<!tpu.dma_semaphore, #tpu.memory_space<semaphore_mem>>) src(%dma_wait3A_41 : memref<632x128xf32, #tpu.memory_space<vmem_shared>>) dst(%dma_wait3A_39 : memref<632x128xf32, #tpu.memory_space<hbm>>)
      tpu.yield
    }) : () -> ()
    return
  }
}

#map = affine_map<(d0, d1) -> (0)>
#map1 = affine_map<(d0, d1) -> (0, 0)>
#map2 = affine_map<(d0, d1) -> (0, 0, 0)>
module attributes {stable_mosaic.version = 14 : i64} {
  func.func @_spmm_body(%arg0: i32, %arg1: i32, %arg2: memref<320000xi32, #tpu.memory_space<hbm>>, %arg3: memref<320000xi32, #tpu.memory_space<hbm>>, %arg4: memref<10240x128xf32, #tpu.memory_space<hbm>>, %arg5: memref<10240x128xf32, #tpu.memory_space<hbm>>, %arg6: memref<632x128xf32, #tpu.memory_space<hbm>>, %arg7: memref<2x10240x128xf32, #tpu.memory_space<hbm>>, %arg8: memref<80xi32, #tpu.memory_space<vmem>>, %arg9: memref<80xi32, #tpu.memory_space<vmem>>, %arg10: memref<80xi32, #tpu.memory_space<vmem>>, %arg11: memref<80xi32, #tpu.memory_space<vmem>>, %arg12: memref<80x128xf32, #tpu.memory_space<vmem>>, %arg13: memref<80x128xf32, #tpu.memory_space<vmem>>, %arg14: memref<10112x128xf32, #tpu.memory_space<vmem_shared>>, %arg15: memref<!tpu.dma_semaphore, #tpu.memory_space<semaphore_mem>>, %arg16: memref<!tpu.dma_semaphore, #tpu.memory_space<semaphore_mem>>) attributes {dimension_semantics = [#tpu.dimension_semantics<core_parallel>, #tpu.dimension_semantics<subcore_parallel>], iteration_bounds = array<i64: 2, 16>, scalar_prefetch = 0 : i64, scratch_operands = 9 : i64, tpu.core_type = #tpu.core_type<sc_vector_subcore>, window_params = [{transform_indices = #map}, {transform_indices = #map}, {transform_indices = #map1}, {transform_indices = #map1}, {transform_indices = #map1}, {transform_indices = #map2}]} {
    %mul3A = arith.constant 632 : i32
    %mul3A_0 = arith.muli %arg1, %mul3A : i32
    "tpu.region"() ({
      %run_scoped3A = tpu.sem_alloc : memref<!tpu.dma_semaphore, #tpu.memory_space<semaphore_mem>>
      %dma_start3A = arith.constant 0 : i32
      %dma_start3A_34 = tpu.memref_slice %arg14[%mul3A_0, %dma_start3A] : memref<10112x128xf32, #tpu.memory_space<vmem_shared>> -> memref<632x128xf32, #tpu.memory_space<vmem_shared>>
      tpu.enqueue_dma source(%arg6 : memref<632x128xf32, #tpu.memory_space<hbm>>) target(%dma_start3A_34 : memref<632x128xf32, #tpu.memory_space<vmem_shared>>) target_semaphore(%run_scoped3A : memref<!tpu.dma_semaphore, #tpu.memory_space<semaphore_mem>>)
      %dma_wait3A = arith.constant 0 : i32
      %dma_wait3A_35 = tpu.memref_slice %arg14[%mul3A_0, %dma_wait3A] : memref<10112x128xf32, #tpu.memory_space<vmem_shared>> -> memref<632x128xf32, #tpu.memory_space<vmem_shared>>
      tpu.wait_dma2 semaphore(%run_scoped3A : memref<!tpu.dma_semaphore, #tpu.memory_space<semaphore_mem>>) src(%arg6 : memref<632x128xf32, #tpu.memory_space<hbm>>) dst(%dma_wait3A_35 : memref<632x128xf32, #tpu.memory_space<vmem_shared>>)
      tpu.yield
    }) : () -> ()
    %barrier3A = arith.constant 0 : index
    tpu.barrier barrier_id(%barrier3A)
    %mul3A_1 = arith.constant 20000 : i32
    %mul3A_2 = arith.muli %arg1, %mul3A_1 : i32
    %add3A = arith.constant 0 : i32
    %add3A_3 = arith.addi %mul3A_2, %add3A : i32
    "tpu.region"() ({
      %run_scoped3A = tpu.sem_alloc : memref<!tpu.dma_semaphore, #tpu.memory_space<semaphore_mem>>
      %dma_start3A = tpu.memref_slice %arg2[%add3A_3] : memref<320000xi32, #tpu.memory_space<hbm>> -> memref<80xi32, #tpu.memory_space<hbm>>
      %dma_start3A_34 = tpu.memref_slice %arg2[%add3A_3] : memref<320000xi32, #tpu.memory_space<hbm>> -> memref<80xi32, #tpu.memory_space<hbm>>
      tpu.enqueue_dma source(%dma_start3A_34 : memref<80xi32, #tpu.memory_space<hbm>>) target(%arg8 : memref<80xi32, #tpu.memory_space<vmem>>) target_semaphore(%run_scoped3A : memref<!tpu.dma_semaphore, #tpu.memory_space<semaphore_mem>>)
      %dma_wait3A = tpu.memref_slice %arg2[%add3A_3] : memref<320000xi32, #tpu.memory_space<hbm>> -> memref<80xi32, #tpu.memory_space<hbm>>
      %dma_wait3A_35 = tpu.memref_slice %arg2[%add3A_3] : memref<320000xi32, #tpu.memory_space<hbm>> -> memref<80xi32, #tpu.memory_space<hbm>>
      tpu.wait_dma2 semaphore(%run_scoped3A : memref<!tpu.dma_semaphore, #tpu.memory_space<semaphore_mem>>) src(%dma_wait3A_35 : memref<80xi32, #tpu.memory_space<hbm>>) dst(%arg8 : memref<80xi32, #tpu.memory_space<vmem>>)
      tpu.yield
    }) : () -> ()
    %eq3A = arith.constant 0 : i32
    %eq3A_4 = arith.cmpi eq, %arg0, %eq3A : i32
    %convert_element_type3A = arith.extui %eq3A_4 : i1 to i32
    %cond3A = arith.constant 0 : i32
    %cond3A_5 = arith.cmpi ne, %convert_element_type3A, %cond3A : i32
    scf.if %cond3A_5 {
      %dma_start3A = arith.constant 0 : i32
      %dma_start3A_34 = arith.constant 0 : i32
      %dma_start3A_35 = tpu.memref_slice %arg4[%dma_start3A, %dma_start3A_34] : memref<10240x128xf32, #tpu.memory_space<hbm>> -> memref<10240x128xf32, #tpu.memory_space<hbm>>
      tpu.enqueue_indirect_dma source(%dma_start3A_35 : memref<10240x128xf32, #tpu.memory_space<hbm>>) target(%arg12 : memref<80x128xf32, #tpu.memory_space<vmem>>) offsets(%arg8 : memref<80xi32, #tpu.memory_space<vmem>>) semaphore(%arg15 : memref<!tpu.dma_semaphore, #tpu.memory_space<semaphore_mem>>)
    } else {
    }
    %eq3A_6 = arith.constant 1 : i32
    %eq3A_7 = arith.cmpi eq, %arg0, %eq3A_6 : i32
    %convert_element_type3A_8 = arith.extui %eq3A_7 : i1 to i32
    %cond3A_9 = arith.constant 0 : i32
    %cond3A_10 = arith.cmpi ne, %convert_element_type3A_8, %cond3A_9 : i32
    scf.if %cond3A_10 {
      %dma_start3A = arith.constant 0 : i32
      %dma_start3A_34 = arith.constant 0 : i32
      %dma_start3A_35 = tpu.memref_slice %arg5[%dma_start3A, %dma_start3A_34] : memref<10240x128xf32, #tpu.memory_space<hbm>> -> memref<10240x128xf32, #tpu.memory_space<hbm>>
      tpu.enqueue_indirect_dma source(%dma_start3A_35 : memref<10240x128xf32, #tpu.memory_space<hbm>>) target(%arg12 : memref<80x128xf32, #tpu.memory_space<vmem>>) offsets(%arg8 : memref<80xi32, #tpu.memory_space<vmem>>) semaphore(%arg15 : memref<!tpu.dma_semaphore, #tpu.memory_space<semaphore_mem>>)
    } else {
    }
    %add3A_11 = arith.constant 80 : i32
    %add3A_12 = arith.addi %mul3A_2, %add3A_11 : i32
    "tpu.region"() ({
      %run_scoped3A = tpu.sem_alloc : memref<!tpu.dma_semaphore, #tpu.memory_space<semaphore_mem>>
      %dma_start3A = tpu.memref_slice %arg2[%add3A_12] : memref<320000xi32, #tpu.memory_space<hbm>> -> memref<80xi32, #tpu.memory_space<hbm>>
      %dma_start3A_34 = tpu.memref_slice %arg2[%add3A_12] : memref<320000xi32, #tpu.memory_space<hbm>> -> memref<80xi32, #tpu.memory_space<hbm>>
      tpu.enqueue_dma source(%dma_start3A_34 : memref<80xi32, #tpu.memory_space<hbm>>) target(%arg9 : memref<80xi32, #tpu.memory_space<vmem>>) target_semaphore(%run_scoped3A : memref<!tpu.dma_semaphore, #tpu.memory_space<semaphore_mem>>)
      %dma_wait3A = tpu.memref_slice %arg2[%add3A_12] : memref<320000xi32, #tpu.memory_space<hbm>> -> memref<80xi32, #tpu.memory_space<hbm>>
      %dma_wait3A_35 = tpu.memref_slice %arg2[%add3A_12] : memref<320000xi32, #tpu.memory_space<hbm>> -> memref<80xi32, #tpu.memory_space<hbm>>
      tpu.wait_dma2 semaphore(%run_scoped3A : memref<!tpu.dma_semaphore, #tpu.memory_space<semaphore_mem>>) src(%dma_wait3A_35 : memref<80xi32, #tpu.memory_space<hbm>>) dst(%arg9 : memref<80xi32, #tpu.memory_space<vmem>>)
      tpu.yield
    }) : () -> ()
    %eq3A_13 = arith.constant 0 : i32
    %eq3A_14 = arith.cmpi eq, %arg0, %eq3A_13 : i32
    %convert_element_type3A_15 = arith.extui %eq3A_14 : i1 to i32
    %cond3A_16 = arith.constant 0 : i32
    %cond3A_17 = arith.cmpi ne, %convert_element_type3A_15, %cond3A_16 : i32
    scf.if %cond3A_17 {
      %dma_start3A = arith.constant 0 : i32
      %dma_start3A_34 = arith.constant 0 : i32
      %dma_start3A_35 = tpu.memref_slice %arg4[%dma_start3A, %dma_start3A_34] : memref<10240x128xf32, #tpu.memory_space<hbm>> -> memref<10240x128xf32, #tpu.memory_space<hbm>>
      tpu.enqueue_indirect_dma source(%dma_start3A_35 : memref<10240x128xf32, #tpu.memory_space<hbm>>) target(%arg13 : memref<80x128xf32, #tpu.memory_space<vmem>>) offsets(%arg9 : memref<80xi32, #tpu.memory_space<vmem>>) semaphore(%arg16 : memref<!tpu.dma_semaphore, #tpu.memory_space<semaphore_mem>>)
    } else {
    }
    %eq3A_18 = arith.constant 1 : i32
    %eq3A_19 = arith.cmpi eq, %arg0, %eq3A_18 : i32
    %convert_element_type3A_20 = arith.extui %eq3A_19 : i1 to i32
    %cond3A_21 = arith.constant 0 : i32
    %cond3A_22 = arith.cmpi ne, %convert_element_type3A_20, %cond3A_21 : i32
    scf.if %cond3A_22 {
      %dma_start3A = arith.constant 0 : i32
      %dma_start3A_34 = arith.constant 0 : i32
      %dma_start3A_35 = tpu.memref_slice %arg5[%dma_start3A, %dma_start3A_34] : memref<10240x128xf32, #tpu.memory_space<hbm>> -> memref<10240x128xf32, #tpu.memory_space<hbm>>
      tpu.enqueue_indirect_dma source(%dma_start3A_35 : memref<10240x128xf32, #tpu.memory_space<hbm>>) target(%arg13 : memref<80x128xf32, #tpu.memory_space<vmem>>) offsets(%arg9 : memref<80xi32, #tpu.memory_space<vmem>>) semaphore(%arg16 : memref<!tpu.dma_semaphore, #tpu.memory_space<semaphore_mem>>)
    } else {
    }
    %scan3A = arith.constant 0 : i32
    %scan3A_23 = arith.constant 0 : i32
    %scan3A_24 = arith.constant 125 : i32
    %scan3A_25 = arith.addi %scan3A_23, %scan3A_24 : i32
    %scan3A_26 = arith.constant 1 : i32
    %scan3A_27 = scf.for %scan3A_34 = %scan3A_23 to %scan3A_25 step %scan3A_26 iter_args(%scan3A_35 = %scan3A) -> (i32)  : i32 {
      %mul3A_36 = arith.constant 2 : i32
      %mul3A_37 = arith.muli %scan3A_34, %mul3A_36 : i32
      %mul3A_38 = arith.constant 80 : i32
      %mul3A_39 = arith.muli %mul3A_37, %mul3A_38 : i32
      %add3A_40 = arith.addi %mul3A_2, %mul3A_39 : i32
      "tpu.region"() ({
        %run_scoped3A = tpu.sem_alloc : memref<!tpu.dma_semaphore, #tpu.memory_space<semaphore_mem>>
        %dma_start3A = tpu.memref_slice %arg3[%add3A_40] : memref<320000xi32, #tpu.memory_space<hbm>> -> memref<80xi32, #tpu.memory_space<hbm>>
        %dma_start3A_65 = tpu.memref_slice %arg3[%add3A_40] : memref<320000xi32, #tpu.memory_space<hbm>> -> memref<80xi32, #tpu.memory_space<hbm>>
        tpu.enqueue_dma source(%dma_start3A_65 : memref<80xi32, #tpu.memory_space<hbm>>) target(%arg10 : memref<80xi32, #tpu.memory_space<vmem>>) target_semaphore(%run_scoped3A : memref<!tpu.dma_semaphore, #tpu.memory_space<semaphore_mem>>)
        %dma_wait3A_66 = tpu.memref_slice %arg3[%add3A_40] : memref<320000xi32, #tpu.memory_space<hbm>> -> memref<80xi32, #tpu.memory_space<hbm>>
        %dma_wait3A_67 = tpu.memref_slice %arg3[%add3A_40] : memref<320000xi32, #tpu.memory_space<hbm>> -> memref<80xi32, #tpu.memory_space<hbm>>
        tpu.wait_dma2 semaphore(%run_scoped3A : memref<!tpu.dma_semaphore, #tpu.memory_space<semaphore_mem>>) src(%dma_wait3A_67 : memref<80xi32, #tpu.memory_space<hbm>>) dst(%arg10 : memref<80xi32, #tpu.memory_space<vmem>>)
        tpu.yield
      }) : () -> ()
      %dma_wait3A = arith.constant 0 : i32
      %dma_wait3A_41 = arith.constant 0 : i32
      %dma_wait3A_42 = tpu.memref_slice %arg4[%dma_wait3A, %dma_wait3A_41] : memref<10240x128xf32, #tpu.memory_space<hbm>> -> memref<10240x128xf32, #tpu.memory_space<hbm>>
      tpu.wait_indirect_dma semaphore(%arg15 : memref<!tpu.dma_semaphore, #tpu.memory_space<semaphore_mem>>) src(%dma_wait3A_42 : memref<10240x128xf32, #tpu.memory_space<hbm>>) dst(%arg12 : memref<80x128xf32, #tpu.memory_space<vmem>>)
      "tpu.region"() ({
        %run_scoped3A = tpu.sem_alloc : memref<!tpu.dma_semaphore, #tpu.memory_space<semaphore_mem>>
        %dma_start3A = arith.constant 0 : i32
        %dma_start3A_65 = arith.constant 0 : i32
        %dma_start3A_66 = tpu.memref_slice %arg14[%dma_start3A, %dma_start3A_65] : memref<10112x128xf32, #tpu.memory_space<vmem_shared>> -> memref<10112x128xf32, #tpu.memory_space<vmem_shared>>
        tpu.enqueue_indirect_dma source(%arg12 : memref<80x128xf32, #tpu.memory_space<vmem>>) target(%dma_start3A_66 : memref<10112x128xf32, #tpu.memory_space<vmem_shared>>) offsets(%arg10 : memref<80xi32, #tpu.memory_space<vmem>>) semaphore(%run_scoped3A : memref<!tpu.dma_semaphore, #tpu.memory_space<semaphore_mem>>) {add = true}
        %dma_wait3A_67 = arith.constant 0 : i32
        %dma_wait3A_68 = arith.constant 0 : i32
        %dma_wait3A_69 = tpu.memref_slice %arg14[%dma_wait3A_67, %dma_wait3A_68] : memref<10112x128xf32, #tpu.memory_space<vmem_shared>> -> memref<10112x128xf32, #tpu.memory_space<vmem_shared>>
        tpu.wait_indirect_dma semaphore(%run_scoped3A : memref<!tpu.dma_semaphore, #tpu.memory_space<semaphore_mem>>) src(%arg12 : memref<80x128xf32, #tpu.memory_space<vmem>>) dst(%dma_wait3A_69 : memref<10112x128xf32, #tpu.memory_space<vmem_shared>>)
        tpu.yield
      }) : () -> ()
      %add3A_43 = arith.constant 2 : i32
      %add3A_44 = arith.addi %mul3A_37, %add3A_43 : i32
      %lt3A = arith.constant 250 : i32
      %lt3A_45 = arith.cmpi slt, %add3A_44, %lt3A : i32
      %convert_element_type3A_46 = arith.extui %lt3A_45 : i1 to i32
      %cond3A_47 = arith.constant 0 : i32
      %cond3A_48 = arith.cmpi ne, %convert_element_type3A_46, %cond3A_47 : i32
      scf.if %cond3A_48 {
        %add3A_65 = arith.constant 2 : i32
        %add3A_66 = arith.addi %mul3A_37, %add3A_65 : i32
        %mul3A_67 = arith.constant 80 : i32
        %mul3A_68 = arith.muli %add3A_66, %mul3A_67 : i32
        %add3A_69 = arith.addi %mul3A_2, %mul3A_68 : i32
        "tpu.region"() ({
          %run_scoped3A = tpu.sem_alloc : memref<!tpu.dma_semaphore, #tpu.memory_space<semaphore_mem>>
          %dma_start3A = tpu.memref_slice %arg2[%add3A_69] : memref<320000xi32, #tpu.memory_space<hbm>> -> memref<80xi32, #tpu.memory_space<hbm>>
          %dma_start3A_80 = tpu.memref_slice %arg2[%add3A_69] : memref<320000xi32, #tpu.memory_space<hbm>> -> memref<80xi32, #tpu.memory_space<hbm>>
          tpu.enqueue_dma source(%dma_start3A_80 : memref<80xi32, #tpu.memory_space<hbm>>) target(%arg8 : memref<80xi32, #tpu.memory_space<vmem>>) target_semaphore(%run_scoped3A : memref<!tpu.dma_semaphore, #tpu.memory_space<semaphore_mem>>)
          %dma_wait3A_81 = tpu.memref_slice %arg2[%add3A_69] : memref<320000xi32, #tpu.memory_space<hbm>> -> memref<80xi32, #tpu.memory_space<hbm>>
          %dma_wait3A_82 = tpu.memref_slice %arg2[%add3A_69] : memref<320000xi32, #tpu.memory_space<hbm>> -> memref<80xi32, #tpu.memory_space<hbm>>
          tpu.wait_dma2 semaphore(%run_scoped3A : memref<!tpu.dma_semaphore, #tpu.memory_space<semaphore_mem>>) src(%dma_wait3A_82 : memref<80xi32, #tpu.memory_space<hbm>>) dst(%arg8 : memref<80xi32, #tpu.memory_space<vmem>>)
          tpu.yield
        }) : () -> ()
        %eq3A_70 = arith.constant 0 : i32
        %eq3A_71 = arith.cmpi eq, %arg0, %eq3A_70 : i32
        %convert_element_type3A_72 = arith.extui %eq3A_71 : i1 to i32
        %cond3A_73 = arith.constant 0 : i32
        %cond3A_74 = arith.cmpi ne, %convert_element_type3A_72, %cond3A_73 : i32
        scf.if %cond3A_74 {
          %dma_start3A = arith.constant 0 : i32
          %dma_start3A_80 = arith.constant 0 : i32
          %dma_start3A_81 = tpu.memref_slice %arg4[%dma_start3A, %dma_start3A_80] : memref<10240x128xf32, #tpu.memory_space<hbm>> -> memref<10240x128xf32, #tpu.memory_space<hbm>>
          tpu.enqueue_indirect_dma source(%dma_start3A_81 : memref<10240x128xf32, #tpu.memory_space<hbm>>) target(%arg12 : memref<80x128xf32, #tpu.memory_space<vmem>>) offsets(%arg8 : memref<80xi32, #tpu.memory_space<vmem>>) semaphore(%arg15 : memref<!tpu.dma_semaphore, #tpu.memory_space<semaphore_mem>>)
        } else {
        }
        %eq3A_75 = arith.constant 1 : i32
        %eq3A_76 = arith.cmpi eq, %arg0, %eq3A_75 : i32
        %convert_element_type3A_77 = arith.extui %eq3A_76 : i1 to i32
        %cond3A_78 = arith.constant 0 : i32
        %cond3A_79 = arith.cmpi ne, %convert_element_type3A_77, %cond3A_78 : i32
        scf.if %cond3A_79 {
          %dma_start3A = arith.constant 0 : i32
          %dma_start3A_80 = arith.constant 0 : i32
          %dma_start3A_81 = tpu.memref_slice %arg5[%dma_start3A, %dma_start3A_80] : memref<10240x128xf32, #tpu.memory_space<hbm>> -> memref<10240x128xf32, #tpu.memory_space<hbm>>
          tpu.enqueue_indirect_dma source(%dma_start3A_81 : memref<10240x128xf32, #tpu.memory_space<hbm>>) target(%arg12 : memref<80x128xf32, #tpu.memory_space<vmem>>) offsets(%arg8 : memref<80xi32, #tpu.memory_space<vmem>>) semaphore(%arg15 : memref<!tpu.dma_semaphore, #tpu.memory_space<semaphore_mem>>)
        } else {
        }
      } else {
      }
      %add3A_49 = arith.constant 1 : i32
      %add3A_50 = arith.addi %mul3A_37, %add3A_49 : i32
      %mul3A_51 = arith.constant 80 : i32
      %mul3A_52 = arith.muli %add3A_50, %mul3A_51 : i32
      %add3A_53 = arith.addi %mul3A_2, %mul3A_52 : i32
      "tpu.region"() ({
        %run_scoped3A = tpu.sem_alloc : memref<!tpu.dma_semaphore, #tpu.memory_space<semaphore_mem>>
        %dma_start3A = tpu.memref_slice %arg3[%add3A_53] : memref<320000xi32, #tpu.memory_space<hbm>> -> memref<80xi32, #tpu.memory_space<hbm>>
        %dma_start3A_65 = tpu.memref_slice %arg3[%add3A_53] : memref<320000xi32, #tpu.memory_space<hbm>> -> memref<80xi32, #tpu.memory_space<hbm>>
        tpu.enqueue_dma source(%dma_start3A_65 : memref<80xi32, #tpu.memory_space<hbm>>) target(%arg11 : memref<80xi32, #tpu.memory_space<vmem>>) target_semaphore(%run_scoped3A : memref<!tpu.dma_semaphore, #tpu.memory_space<semaphore_mem>>)
        %dma_wait3A_66 = tpu.memref_slice %arg3[%add3A_53] : memref<320000xi32, #tpu.memory_space<hbm>> -> memref<80xi32, #tpu.memory_space<hbm>>
        %dma_wait3A_67 = tpu.memref_slice %arg3[%add3A_53] : memref<320000xi32, #tpu.memory_space<hbm>> -> memref<80xi32, #tpu.memory_space<hbm>>
        tpu.wait_dma2 semaphore(%run_scoped3A : memref<!tpu.dma_semaphore, #tpu.memory_space<semaphore_mem>>) src(%dma_wait3A_67 : memref<80xi32, #tpu.memory_space<hbm>>) dst(%arg11 : memref<80xi32, #tpu.memory_space<vmem>>)
        tpu.yield
      }) : () -> ()
      %dma_wait3A_54 = arith.constant 0 : i32
      %dma_wait3A_55 = arith.constant 0 : i32
      %dma_wait3A_56 = tpu.memref_slice %arg4[%dma_wait3A_54, %dma_wait3A_55] : memref<10240x128xf32, #tpu.memory_space<hbm>> -> memref<10240x128xf32, #tpu.memory_space<hbm>>
      tpu.wait_indirect_dma semaphore(%arg16 : memref<!tpu.dma_semaphore, #tpu.memory_space<semaphore_mem>>) src(%dma_wait3A_56 : memref<10240x128xf32, #tpu.memory_space<hbm>>) dst(%arg13 : memref<80x128xf32, #tpu.memory_space<vmem>>)
      "tpu.region"() ({
        %run_scoped3A = tpu.sem_alloc : memref<!tpu.dma_semaphore, #tpu.memory_space<semaphore_mem>>
        %dma_start3A = arith.constant 0 : i32
        %dma_start3A_65 = arith.constant 0 : i32
        %dma_start3A_66 = tpu.memref_slice %arg14[%dma_start3A, %dma_start3A_65] : memref<10112x128xf32, #tpu.memory_space<vmem_shared>> -> memref<10112x128xf32, #tpu.memory_space<vmem_shared>>
        tpu.enqueue_indirect_dma source(%arg13 : memref<80x128xf32, #tpu.memory_space<vmem>>) target(%dma_start3A_66 : memref<10112x128xf32, #tpu.memory_space<vmem_shared>>) offsets(%arg11 : memref<80xi32, #tpu.memory_space<vmem>>) semaphore(%run_scoped3A : memref<!tpu.dma_semaphore, #tpu.memory_space<semaphore_mem>>) {add = true}
        %dma_wait3A_67 = arith.constant 0 : i32
        %dma_wait3A_68 = arith.constant 0 : i32
        %dma_wait3A_69 = tpu.memref_slice %arg14[%dma_wait3A_67, %dma_wait3A_68] : memref<10112x128xf32, #tpu.memory_space<vmem_shared>> -> memref<10112x128xf32, #tpu.memory_space<vmem_shared>>
        tpu.wait_indirect_dma semaphore(%run_scoped3A : memref<!tpu.dma_semaphore, #tpu.memory_space<semaphore_mem>>) src(%arg13 : memref<80x128xf32, #tpu.memory_space<vmem>>) dst(%dma_wait3A_69 : memref<10112x128xf32, #tpu.memory_space<vmem_shared>>)
        tpu.yield
      }) : () -> ()
      %add3A_57 = arith.constant 3 : i32
      %add3A_58 = arith.addi %mul3A_37, %add3A_57 : i32
      %lt3A_59 = arith.constant 250 : i32
      %lt3A_60 = arith.cmpi slt, %add3A_58, %lt3A_59 : i32
      %convert_element_type3A_61 = arith.extui %lt3A_60 : i1 to i32
      %cond3A_62 = arith.constant 0 : i32
      %cond3A_63 = arith.cmpi ne, %convert_element_type3A_61, %cond3A_62 : i32
      scf.if %cond3A_63 {
        %add3A_65 = arith.constant 3 : i32
        %add3A_66 = arith.addi %mul3A_37, %add3A_65 : i32
        %mul3A_67 = arith.constant 80 : i32
        %mul3A_68 = arith.muli %add3A_66, %mul3A_67 : i32
        %add3A_69 = arith.addi %mul3A_2, %mul3A_68 : i32
        "tpu.region"() ({
          %run_scoped3A = tpu.sem_alloc : memref<!tpu.dma_semaphore, #tpu.memory_space<semaphore_mem>>
          %dma_start3A = tpu.memref_slice %arg2[%add3A_69] : memref<320000xi32, #tpu.memory_space<hbm>> -> memref<80xi32, #tpu.memory_space<hbm>>
          %dma_start3A_80 = tpu.memref_slice %arg2[%add3A_69] : memref<320000xi32, #tpu.memory_space<hbm>> -> memref<80xi32, #tpu.memory_space<hbm>>
          tpu.enqueue_dma source(%dma_start3A_80 : memref<80xi32, #tpu.memory_space<hbm>>) target(%arg9 : memref<80xi32, #tpu.memory_space<vmem>>) target_semaphore(%run_scoped3A : memref<!tpu.dma_semaphore, #tpu.memory_space<semaphore_mem>>)
          %dma_wait3A_81 = tpu.memref_slice %arg2[%add3A_69] : memref<320000xi32, #tpu.memory_space<hbm>> -> memref<80xi32, #tpu.memory_space<hbm>>
          %dma_wait3A_82 = tpu.memref_slice %arg2[%add3A_69] : memref<320000xi32, #tpu.memory_space<hbm>> -> memref<80xi32, #tpu.memory_space<hbm>>
          tpu.wait_dma2 semaphore(%run_scoped3A : memref<!tpu.dma_semaphore, #tpu.memory_space<semaphore_mem>>) src(%dma_wait3A_82 : memref<80xi32, #tpu.memory_space<hbm>>) dst(%arg9 : memref<80xi32, #tpu.memory_space<vmem>>)
          tpu.yield
        }) : () -> ()
        %eq3A_70 = arith.constant 0 : i32
        %eq3A_71 = arith.cmpi eq, %arg0, %eq3A_70 : i32
        %convert_element_type3A_72 = arith.extui %eq3A_71 : i1 to i32
        %cond3A_73 = arith.constant 0 : i32
        %cond3A_74 = arith.cmpi ne, %convert_element_type3A_72, %cond3A_73 : i32
        scf.if %cond3A_74 {
          %dma_start3A = arith.constant 0 : i32
          %dma_start3A_80 = arith.constant 0 : i32
          %dma_start3A_81 = tpu.memref_slice %arg4[%dma_start3A, %dma_start3A_80] : memref<10240x128xf32, #tpu.memory_space<hbm>> -> memref<10240x128xf32, #tpu.memory_space<hbm>>
          tpu.enqueue_indirect_dma source(%dma_start3A_81 : memref<10240x128xf32, #tpu.memory_space<hbm>>) target(%arg13 : memref<80x128xf32, #tpu.memory_space<vmem>>) offsets(%arg9 : memref<80xi32, #tpu.memory_space<vmem>>) semaphore(%arg16 : memref<!tpu.dma_semaphore, #tpu.memory_space<semaphore_mem>>)
        } else {
        }
        %eq3A_75 = arith.constant 1 : i32
        %eq3A_76 = arith.cmpi eq, %arg0, %eq3A_75 : i32
        %convert_element_type3A_77 = arith.extui %eq3A_76 : i1 to i32
        %cond3A_78 = arith.constant 0 : i32
        %cond3A_79 = arith.cmpi ne, %convert_element_type3A_77, %cond3A_78 : i32
        scf.if %cond3A_79 {
          %dma_start3A = arith.constant 0 : i32
          %dma_start3A_80 = arith.constant 0 : i32
          %dma_start3A_81 = tpu.memref_slice %arg5[%dma_start3A, %dma_start3A_80] : memref<10240x128xf32, #tpu.memory_space<hbm>> -> memref<10240x128xf32, #tpu.memory_space<hbm>>
          tpu.enqueue_indirect_dma source(%dma_start3A_81 : memref<10240x128xf32, #tpu.memory_space<hbm>>) target(%arg13 : memref<80x128xf32, #tpu.memory_space<vmem>>) offsets(%arg9 : memref<80xi32, #tpu.memory_space<vmem>>) semaphore(%arg16 : memref<!tpu.dma_semaphore, #tpu.memory_space<semaphore_mem>>)
        } else {
        }
      } else {
      }
      %scan3A_64 = arith.constant 0 : i32
      scf.yield %scan3A_64 : i32
    }
    %scan3A_28 = arith.constant 125 : i32
    %barrier3A_29 = arith.constant 0 : index
    tpu.barrier barrier_id(%barrier3A_29)
    %mul3A_30 = arith.constant 632 : i32
    %mul3A_31 = arith.muli %arg1, %mul3A_30 : i32
    %mul3A_32 = arith.constant 632 : i32
    %mul3A_33 = arith.muli %arg1, %mul3A_32 : i32
    "tpu.region"() ({
      %run_scoped3A = tpu.sem_alloc : memref<!tpu.dma_semaphore, #tpu.memory_space<semaphore_mem>>
      %dma_start3A = arith.constant 0 : i32
      %dma_start3A_34 = tpu.memref_slice %arg7[%arg0, %mul3A_33, %dma_start3A] : memref<2x10240x128xf32, #tpu.memory_space<hbm>> -> memref<1x632x128xf32, #tpu.memory_space<hbm>>
      %dma_start3A_35 = tpu.memref_squeeze %dma_start3A_34 : memref<1x632x128xf32, #tpu.memory_space<hbm>> -> memref<632x128xf32, #tpu.memory_space<hbm>>
      %dma_start3A_36 = arith.constant 0 : i32
      %dma_start3A_37 = tpu.memref_slice %arg14[%mul3A_31, %dma_start3A_36] : memref<10112x128xf32, #tpu.memory_space<vmem_shared>> -> memref<632x128xf32, #tpu.memory_space<vmem_shared>>
      tpu.enqueue_dma source(%dma_start3A_37 : memref<632x128xf32, #tpu.memory_space<vmem_shared>>) target(%dma_start3A_35 : memref<632x128xf32, #tpu.memory_space<hbm>>) target_semaphore(%run_scoped3A : memref<!tpu.dma_semaphore, #tpu.memory_space<semaphore_mem>>)
      %dma_wait3A = arith.constant 0 : i32
      %dma_wait3A_38 = tpu.memref_slice %arg7[%arg0, %mul3A_33, %dma_wait3A] : memref<2x10240x128xf32, #tpu.memory_space<hbm>> -> memref<1x632x128xf32, #tpu.memory_space<hbm>>
      %dma_wait3A_39 = tpu.memref_squeeze %dma_wait3A_38 : memref<1x632x128xf32, #tpu.memory_space<hbm>> -> memref<632x128xf32, #tpu.memory_space<hbm>>
      %dma_wait3A_40 = arith.constant 0 : i32
      %dma_wait3A_41 = tpu.memref_slice %arg14[%mul3A_31, %dma_wait3A_40] : memref<10112x128xf32, #tpu.memory_space<vmem_shared>> -> memref<632x128xf32, #tpu.memory_space<vmem_shared>>
      tpu.wait_dma2 semaphore(%run_scoped3A : memref<!tpu.dma_semaphore, #tpu.memory_space<semaphore_mem>>) src(%dma_wait3A_41 : memref<632x128xf32, #tpu.memory_space<vmem_shared>>) dst(%dma_wait3A_39 : memref<632x128xf32, #tpu.memory_space<hbm>>)
      tpu.yield
    }) : () -> ()
    return
  }
}

module attributes {stable_mosaic.version = 14 : i64} {
  func.func @_k1_body(%arg0: i32, %arg1: memref<1024x128xf32, #tpu.memory_space<vmem>>, %arg2: memref<128x256xf32, #tpu.memory_space<vmem>>, %arg3: memref<1x256xf32, #tpu.memory_space<vmem>>, %arg4: memref<1024x1xf32, #tpu.memory_space<vmem>>, %arg5: memref<1024x1xf32, #tpu.memory_space<vmem>>, %arg6: memref<1024x1xf32, #tpu.memory_space<vmem>>, %arg7: memref<1024x128xf32, #tpu.memory_space<vmem>>, %arg8: memref<1024x128xf32, #tpu.memory_space<vmem>>) attributes {dimension_semantics = [#tpu.dimension_semantics<arbitrary>], iteration_bounds = array<i64: 10>, scalar_prefetch = 0 : i64, scratch_operands = 0 : i64, tpu.core_type = #tpu.core_type<tc>, window_params = [{transform_indices = @transform_0, window_bounds = array<i64: 1024, 128>}, {pipeline_mode = #tpu.pipeline_mode<synchronous>, transform_indices = @transform_1, window_bounds = array<i64: 128, 256>}, {pipeline_mode = #tpu.pipeline_mode<synchronous>, transform_indices = @transform_2, window_bounds = array<i64: 1, 256>}, {transform_indices = @transform_3, window_bounds = array<i64: 1024, 1>}, {transform_indices = @transform_4, window_bounds = array<i64: 1024, 1>}, {transform_indices = @transform_5, window_bounds = array<i64: 1024, 1>}, {transform_indices = @transform_6, window_bounds = array<i64: 1024, 128>}, {transform_indices = @transform_7, window_bounds = array<i64: 1024, 128>}]} {
    %get3A = arith.constant 0 : index
    %get3A_0 = arith.constant 0 : index
    %get3A_1 = vector.load %arg4[%get3A, %get3A_0] : memref<1024x1xf32, #tpu.memory_space<vmem>>, vector<1024x1xf32>
    %get3A_2 = arith.constant 0 : index
    %get3A_3 = arith.constant 0 : index
    %get3A_4 = vector.load %arg5[%get3A_2, %get3A_3] : memref<1024x1xf32, #tpu.memory_space<vmem>>, vector<1024x1xf32>
    %add3A = arith.addf %get3A_1, %get3A_4 : vector<1024x1xf32>
    %add3A_5 = arith.constant 1.000000e+00 : f32
    %add3A_6 = vector.broadcast %add3A_5 : f32 to vector<1024x1xf32>
    %add3A_7 = arith.addf %add3A, %add3A_6 : vector<1024x1xf32>
    %rsqrt3A = math.rsqrt %add3A_7 : vector<1024x1xf32>
    %get3A_8 = arith.constant 0 : index
    %get3A_9 = arith.constant 0 : index
    %get3A_10 = vector.load %arg1[%get3A_8, %get3A_9] : memref<1024x128xf32, #tpu.memory_space<vmem>>, vector<1024x128xf32>
    %get3A_11 = arith.constant 0 : index
    %get3A_12 = arith.constant 0 : index
    %get3A_13 = vector.load %arg2[%get3A_11, %get3A_12] : memref<128x256xf32, #tpu.memory_space<vmem>>, vector<128x256xf32>
    %dot_general3A = arith.constant dense<0.000000e+00> : vector<1024x256xf32>
    %dot_general3A_14 = tpu.matmul %get3A_10, %get3A_13, %dot_general3A {dimension_numbers = #tpu.dot_dimension_numbers<[1], [0], [0], [1], [0, 0, 1, 1], [], []>, transpose_lhs_hint = false} : vector<1024x128xf32>, vector<128x256xf32>, vector<1024x256xf32> -> vector<1024x256xf32>
    %get3A_15 = arith.constant 0 : index
    %get3A_16 = arith.constant 0 : index
    %get3A_17 = vector.load %arg3[%get3A_15, %get3A_16] : memref<1x256xf32, #tpu.memory_space<vmem>>, vector<1x256xf32>
    %add3A_18 = vector.broadcast %get3A_17 : vector<1x256xf32> to vector<1024x256xf32>
    %add3A_19 = arith.addf %dot_general3A_14, %add3A_18 : vector<1024x256xf32>
    %max3A = arith.constant 0.000000e+00 : f32
    %max3A_20 = vector.broadcast %max3A : f32 to vector<1024x256xf32>
    %max3A_21 = arith.maximumf %add3A_19, %max3A_20 : vector<1024x256xf32>
    %mul3A = vector.broadcast %rsqrt3A : vector<1024x1xf32> to vector<1024x256xf32>
    %mul3A_22 = arith.mulf %max3A_21, %mul3A : vector<1024x256xf32>
    %swap3A = arith.constant 0 : index
    %swap3A_23 = arith.constant 0 : index
    %swap3A_24 = vector.load %arg6[%swap3A, %swap3A_23] : memref<1024x1xf32, #tpu.memory_space<vmem>>, vector<1024x1xf32>
    tpu.vector_store %arg6[%swap3A, %swap3A_23], %rsqrt3A {strides = array<i32>} : memref<1024x1xf32, #tpu.memory_space<vmem>>, vector<1024x1xf32>,
    %slice3A = vector.extract_strided_slice %mul3A_22 {offsets = [0, 0], sizes = [1024, 128], strides = [1, 1]} : vector<1024x256xf32> to vector<1024x128xf32>
    %swap3A_25 = arith.constant 0 : index
    %swap3A_26 = arith.constant 0 : index
    %swap3A_27 = vector.load %arg7[%swap3A_25, %swap3A_26] : memref<1024x128xf32, #tpu.memory_space<vmem>>, vector<1024x128xf32>
    tpu.vector_store %arg7[%swap3A_25, %swap3A_26], %slice3A {strides = array<i32>} : memref<1024x128xf32, #tpu.memory_space<vmem>>, vector<1024x128xf32>,
    %slice3A_28 = vector.extract_strided_slice %mul3A_22 {offsets = [0, 128], sizes = [1024, 128], strides = [1, 1]} : vector<1024x256xf32> to vector<1024x128xf32>
    %swap3A_29 = arith.constant 0 : index
    %swap3A_30 = arith.constant 0 : index
    %swap3A_31 = vector.load %arg8[%swap3A_29, %swap3A_30] : memref<1024x128xf32, #tpu.memory_space<vmem>>, vector<1024x128xf32>
    tpu.vector_store %arg8[%swap3A_29, %swap3A_30], %slice3A_28 {strides = array<i32>} : memref<1024x128xf32, #tpu.memory_space<vmem>>, vector<1024x128xf32>,
    return
  }
  func.func @transform_0(%arg0: i32) -> (i32, i32) {
    %c0_i32 = arith.constant 0 : i32
    %c0_i32_0 = arith.constant 0 : i32
    return %arg0, %c0_i32 : i32, i32
  }
  func.func @transform_1(%arg0: i32) -> (i32, i32) {
    %c0_i32 = arith.constant 0 : i32
    %c0_i32_0 = arith.constant 0 : i32
    %c0_i32_1 = arith.constant 0 : i32
    return %c0_i32, %c0_i32_0 : i32, i32
  }
  func.func @transform_2(%arg0: i32) -> (i32, i32) {
    %c0_i32 = arith.constant 0 : i32
    %c0_i32_0 = arith.constant 0 : i32
    %c0_i32_1 = arith.constant 0 : i32
    return %c0_i32, %c0_i32_0 : i32, i32
  }
  func.func @transform_3(%arg0: i32) -> (i32, i32) {
    %c0_i32 = arith.constant 0 : i32
    %c0_i32_0 = arith.constant 0 : i32
    return %arg0, %c0_i32 : i32, i32
  }
  func.func @transform_4(%arg0: i32) -> (i32, i32) {
    %c0_i32 = arith.constant 0 : i32
    %c0_i32_0 = arith.constant 0 : i32
    return %arg0, %c0_i32 : i32, i32
  }
  func.func @transform_5(%arg0: i32) -> (i32, i32) {
    %c0_i32 = arith.constant 0 : i32
    %c0_i32_0 = arith.constant 0 : i32
    return %arg0, %c0_i32 : i32, i32
  }
  func.func @transform_6(%arg0: i32) -> (i32, i32) {
    %c0_i32 = arith.constant 0 : i32
    %c0_i32_0 = arith.constant 0 : i32
    return %arg0, %c0_i32 : i32, i32
  }
  func.func @transform_7(%arg0: i32) -> (i32, i32) {
    %c0_i32 = arith.constant 0 : i32
    %c0_i32_0 = arith.constant 0 : i32
    return %arg0, %c0_i32 : i32, i32
  }
}

module attributes {stable_mosaic.version = 14 : i64} {
  func.func @_k4_body(%arg0: i32, %arg1: memref<1x1024x128xf32, #tpu.memory_space<vmem>>, %arg2: memref<1x1024x128xf32, #tpu.memory_space<vmem>>, %arg3: memref<1024x128xf32, #tpu.memory_space<vmem>>, %arg4: memref<1024x128xf32, #tpu.memory_space<vmem>>, %arg5: memref<1024x1xf32, #tpu.memory_space<vmem>>, %arg6: memref<256x128xf32, #tpu.memory_space<vmem>>, %arg7: memref<1x128xf32, #tpu.memory_space<vmem>>, %arg8: memref<256x128xf32, #tpu.memory_space<vmem>>, %arg9: memref<1x128xf32, #tpu.memory_space<vmem>>, %arg10: memref<1024x128xf32, #tpu.memory_space<vmem>>, %arg11: memref<1024x128xf32, #tpu.memory_space<vmem>>) attributes {dimension_semantics = [#tpu.dimension_semantics<arbitrary>], iteration_bounds = array<i64: 10>, scalar_prefetch = 0 : i64, scratch_operands = 0 : i64, tpu.core_type = #tpu.core_type<tc>, window_params = [{transform_indices = @transform_0, window_bounds = array<i64: 1, 1024, 128>}, {transform_indices = @transform_1, window_bounds = array<i64: 1, 1024, 128>}, {transform_indices = @transform_2, window_bounds = array<i64: 1024, 128>}, {transform_indices = @transform_3, window_bounds = array<i64: 1024, 128>}, {transform_indices = @transform_4, window_bounds = array<i64: 1024, 1>}, {pipeline_mode = #tpu.pipeline_mode<synchronous>, transform_indices = @transform_5, window_bounds = array<i64: 256, 128>}, {pipeline_mode = #tpu.pipeline_mode<synchronous>, transform_indices = @transform_6, window_bounds = array<i64: 1, 128>}, {pipeline_mode = #tpu.pipeline_mode<synchronous>, transform_indices = @transform_7, window_bounds = array<i64: 256, 128>}, {pipeline_mode = #tpu.pipeline_mode<synchronous>, transform_indices = @transform_8, window_bounds = array<i64: 1, 128>}, {transform_indices = @transform_9, window_bounds = array<i64: 1024, 128>}, {transform_indices = @transform_10, window_bounds = array<i64: 1024, 128>}]} {
    %get3A = arith.constant 0 : index
    %get3A_0 = arith.constant 0 : index
    %get3A_1 = vector.load %arg5[%get3A, %get3A_0] : memref<1024x1xf32, #tpu.memory_space<vmem>>, vector<1024x1xf32>
    %get3A_2 = arith.constant 0 : index
    %get3A_3 = arith.constant 0 : index
    %get3A_4 = arith.constant 0 : index
    %get3A_5 = vector.load %arg1[%get3A_2, %get3A_3, %get3A_4] : memref<1x1024x128xf32, #tpu.memory_space<vmem>>, vector<1x1024x128xf32>
    %get3A_6 = vector.shape_cast %get3A_5 : vector<1x1024x128xf32> to vector<1024x128xf32>
    %get3A_7 = arith.constant 0 : index
    %get3A_8 = arith.constant 0 : index
    %get3A_9 = vector.load %arg3[%get3A_7, %get3A_8] : memref<1024x128xf32, #tpu.memory_space<vmem>>, vector<1024x128xf32>
    %add3A = arith.addf %get3A_6, %get3A_9 : vector<1024x128xf32>
    %mul3A = vector.broadcast %get3A_1 : vector<1024x1xf32> to vector<1024x128xf32>
    %mul3A_10 = arith.mulf %add3A, %mul3A : vector<1024x128xf32>
    %get3A_11 = arith.constant 0 : index
    %get3A_12 = arith.constant 0 : index
    %get3A_13 = arith.constant 0 : index
    %get3A_14 = vector.load %arg2[%get3A_11, %get3A_12, %get3A_13] : memref<1x1024x128xf32, #tpu.memory_space<vmem>>, vector<1x1024x128xf32>
    %get3A_15 = vector.shape_cast %get3A_14 : vector<1x1024x128xf32> to vector<1024x128xf32>
    %get3A_16 = arith.constant 0 : index
    %get3A_17 = arith.constant 0 : index
    %get3A_18 = vector.load %arg4[%get3A_16, %get3A_17] : memref<1024x128xf32, #tpu.memory_space<vmem>>, vector<1024x128xf32>
    %add3A_19 = arith.addf %get3A_15, %get3A_18 : vector<1024x128xf32>
    %mul3A_20 = vector.broadcast %get3A_1 : vector<1024x1xf32> to vector<1024x128xf32>
    %mul3A_21 = arith.mulf %add3A_19, %mul3A_20 : vector<1024x128xf32>
    %concatenate3A = tpu.concatenate %mul3A_10, %mul3A_21 in 1 : vector<1024x128xf32>, vector<1024x128xf32> -> vector<1024x256xf32>
    %get3A_22 = arith.constant 0 : index
    %get3A_23 = arith.constant 0 : index
    %get3A_24 = vector.load %arg6[%get3A_22, %get3A_23] : memref<256x128xf32, #tpu.memory_space<vmem>>, vector<256x128xf32>
    %dot_general3A = arith.constant dense<0.000000e+00> : vector<1024x128xf32>
    %dot_general3A_25 = tpu.matmul %concatenate3A, %get3A_24, %dot_general3A {dimension_numbers = #tpu.dot_dimension_numbers<[1], [0], [0], [1], [0, 0, 1, 1], [], []>, transpose_lhs_hint = false} : vector<1024x256xf32>, vector<256x128xf32>, vector<1024x128xf32> -> vector<1024x128xf32>
    %get3A_26 = arith.constant 0 : index
    %get3A_27 = arith.constant 0 : index
    %get3A_28 = vector.load %arg7[%get3A_26, %get3A_27] : memref<1x128xf32, #tpu.memory_space<vmem>>, vector<1x128xf32>
    %add3A_29 = vector.broadcast %get3A_28 : vector<1x128xf32> to vector<1024x128xf32>
    %add3A_30 = arith.addf %dot_general3A_25, %add3A_29 : vector<1024x128xf32>
    %swap3A = arith.constant 0 : index
    %swap3A_31 = arith.constant 0 : index
    %swap3A_32 = vector.load %arg10[%swap3A, %swap3A_31] : memref<1024x128xf32, #tpu.memory_space<vmem>>, vector<1024x128xf32>
    tpu.vector_store %arg10[%swap3A, %swap3A_31], %add3A_30 {strides = array<i32>} : memref<1024x128xf32, #tpu.memory_space<vmem>>, vector<1024x128xf32>,
    %get3A_33 = arith.constant 0 : index
    %get3A_34 = arith.constant 0 : index
    %get3A_35 = vector.load %arg8[%get3A_33, %get3A_34] : memref<256x128xf32, #tpu.memory_space<vmem>>, vector<256x128xf32>
    %dot_general3A_36 = arith.constant dense<0.000000e+00> : vector<1024x128xf32>
    %dot_general3A_37 = tpu.matmul %concatenate3A, %get3A_35, %dot_general3A_36 {dimension_numbers = #tpu.dot_dimension_numbers<[1], [0], [0], [1], [0, 0, 1, 1], [], []>, transpose_lhs_hint = false} : vector<1024x256xf32>, vector<256x128xf32>, vector<1024x128xf32> -> vector<1024x128xf32>
    %get3A_38 = arith.constant 0 : index
    %get3A_39 = arith.constant 0 : index
    %get3A_40 = vector.load %arg9[%get3A_38, %get3A_39] : memref<1x128xf32, #tpu.memory_space<vmem>>, vector<1x128xf32>
    %add3A_41 = vector.broadcast %get3A_40 : vector<1x128xf32> to vector<1024x128xf32>
    %add3A_42 = arith.addf %dot_general3A_37, %add3A_41 : vector<1024x128xf32>
    %swap3A_43 = arith.constant 0 : index
    %swap3A_44 = arith.constant 0 : index
    %swap3A_45 = vector.load %arg11[%swap3A_43, %swap3A_44] : memref<1024x128xf32, #tpu.memory_space<vmem>>, vector<1024x128xf32>
    tpu.vector_store %arg11[%swap3A_43, %swap3A_44], %add3A_42 {strides = array<i32>} : memref<1024x128xf32, #tpu.memory_space<vmem>>, vector<1024x128xf32>,
    return
  }
  func.func @transform_0(%arg0: i32) -> (i32, i32, i32) {
    %c0_i32 = arith.constant 0 : i32
    %c0_i32_0 = arith.constant 0 : i32
    %c0_i32_1 = arith.constant 0 : i32
    return %c0_i32, %arg0, %c0_i32_0 : i32, i32, i32
  }
  func.func @transform_1(%arg0: i32) -> (i32, i32, i32) {
    %c1_i32 = arith.constant 1 : i32
    %c0_i32 = arith.constant 0 : i32
    %c0_i32_0 = arith.constant 0 : i32
    return %c1_i32, %arg0, %c0_i32 : i32, i32, i32
  }
  func.func @transform_2(%arg0: i32) -> (i32, i32) {
    %c0_i32 = arith.constant 0 : i32
    %c0_i32_0 = arith.constant 0 : i32
    return %arg0, %c0_i32 : i32, i32
  }
  func.func @transform_3(%arg0: i32) -> (i32, i32) {
    %c0_i32 = arith.constant 0 : i32
    %c0_i32_0 = arith.constant 0 : i32
    return %arg0, %c0_i32 : i32, i32
  }
  func.func @transform_4(%arg0: i32) -> (i32, i32) {
    %c0_i32 = arith.constant 0 : i32
    %c0_i32_0 = arith.constant 0 : i32
    return %arg0, %c0_i32 : i32, i32
  }
  func.func @transform_5(%arg0: i32) -> (i32, i32) {
    %c0_i32 = arith.constant 0 : i32
    %c0_i32_0 = arith.constant 0 : i32
    %c0_i32_1 = arith.constant 0 : i32
    return %c0_i32, %c0_i32_0 : i32, i32
  }
  func.func @transform_6(%arg0: i32) -> (i32, i32) {
    %c0_i32 = arith.constant 0 : i32
    %c0_i32_0 = arith.constant 0 : i32
    %c0_i32_1 = arith.constant 0 : i32
    return %c0_i32, %c0_i32_0 : i32, i32
  }
  func.func @transform_7(%arg0: i32) -> (i32, i32) {
    %c0_i32 = arith.constant 0 : i32
    %c0_i32_0 = arith.constant 0 : i32
    %c0_i32_1 = arith.constant 0 : i32
    return %c0_i32, %c0_i32_0 : i32, i32
  }
  func.func @transform_8(%arg0: i32) -> (i32, i32) {
    %c0_i32 = arith.constant 0 : i32
    %c0_i32_0 = arith.constant 0 : i32
    %c0_i32_1 = arith.constant 0 : i32
    return %c0_i32, %c0_i32_0 : i32, i32
  }
  func.func @transform_9(%arg0: i32) -> (i32, i32) {
    %c0_i32 = arith.constant 0 : i32
    %c0_i32_0 = arith.constant 0 : i32
    return %arg0, %c0_i32 : i32, i32
  }
  func.func @transform_10(%arg0: i32) -> (i32, i32) {
    %c0_i32 = arith.constant 0 : i32
    %c0_i32_0 = arith.constant 0 : i32
    return %arg0, %c0_i32 : i32, i32
  }
}

module attributes {stable_mosaic.version = 14 : i64} {
  func.func @_k3_body(%arg0: i32, %arg1: memref<1x1024x128xf32, #tpu.memory_space<vmem>>, %arg2: memref<1x1024x128xf32, #tpu.memory_space<vmem>>, %arg3: memref<1024x128xf32, #tpu.memory_space<vmem>>, %arg4: memref<1024x128xf32, #tpu.memory_space<vmem>>, %arg5: memref<1024x1xf32, #tpu.memory_space<vmem>>, %arg6: memref<256x256xf32, #tpu.memory_space<vmem>>, %arg7: memref<1x256xf32, #tpu.memory_space<vmem>>, %arg8: memref<1024x128xf32, #tpu.memory_space<vmem>>, %arg9: memref<1024x128xf32, #tpu.memory_space<vmem>>) attributes {dimension_semantics = [#tpu.dimension_semantics<arbitrary>], iteration_bounds = array<i64: 10>, scalar_prefetch = 0 : i64, scratch_operands = 0 : i64, tpu.core_type = #tpu.core_type<tc>, window_params = [{transform_indices = @transform_0, window_bounds = array<i64: 1, 1024, 128>}, {transform_indices = @transform_1, window_bounds = array<i64: 1, 1024, 128>}, {transform_indices = @transform_2, window_bounds = array<i64: 1024, 128>}, {transform_indices = @transform_3, window_bounds = array<i64: 1024, 128>}, {transform_indices = @transform_4, window_bounds = array<i64: 1024, 1>}, {pipeline_mode = #tpu.pipeline_mode<synchronous>, transform_indices = @transform_5, window_bounds = array<i64: 256, 256>}, {pipeline_mode = #tpu.pipeline_mode<synchronous>, transform_indices = @transform_6, window_bounds = array<i64: 1, 256>}, {transform_indices = @transform_7, window_bounds = array<i64: 1024, 128>}, {transform_indices = @transform_8, window_bounds = array<i64: 1024, 128>}]} {
    %get3A = arith.constant 0 : index
    %get3A_0 = arith.constant 0 : index
    %get3A_1 = vector.load %arg5[%get3A, %get3A_0] : memref<1024x1xf32, #tpu.memory_space<vmem>>, vector<1024x1xf32>
    %get3A_2 = arith.constant 0 : index
    %get3A_3 = arith.constant 0 : index
    %get3A_4 = arith.constant 0 : index
    %get3A_5 = vector.load %arg1[%get3A_2, %get3A_3, %get3A_4] : memref<1x1024x128xf32, #tpu.memory_space<vmem>>, vector<1x1024x128xf32>
    %get3A_6 = vector.shape_cast %get3A_5 : vector<1x1024x128xf32> to vector<1024x128xf32>
    %get3A_7 = arith.constant 0 : index
    %get3A_8 = arith.constant 0 : index
    %get3A_9 = vector.load %arg3[%get3A_7, %get3A_8] : memref<1024x128xf32, #tpu.memory_space<vmem>>, vector<1024x128xf32>
    %add3A = arith.addf %get3A_6, %get3A_9 : vector<1024x128xf32>
    %mul3A = vector.broadcast %get3A_1 : vector<1024x1xf32> to vector<1024x128xf32>
    %mul3A_10 = arith.mulf %add3A, %mul3A : vector<1024x128xf32>
    %get3A_11 = arith.constant 0 : index
    %get3A_12 = arith.constant 0 : index
    %get3A_13 = arith.constant 0 : index
    %get3A_14 = vector.load %arg2[%get3A_11, %get3A_12, %get3A_13] : memref<1x1024x128xf32, #tpu.memory_space<vmem>>, vector<1x1024x128xf32>
    %get3A_15 = vector.shape_cast %get3A_14 : vector<1x1024x128xf32> to vector<1024x128xf32>
    %get3A_16 = arith.constant 0 : index
    %get3A_17 = arith.constant 0 : index
    %get3A_18 = vector.load %arg4[%get3A_16, %get3A_17] : memref<1024x128xf32, #tpu.memory_space<vmem>>, vector<1024x128xf32>
    %add3A_19 = arith.addf %get3A_15, %get3A_18 : vector<1024x128xf32>
    %mul3A_20 = vector.broadcast %get3A_1 : vector<1024x1xf32> to vector<1024x128xf32>
    %mul3A_21 = arith.mulf %add3A_19, %mul3A_20 : vector<1024x128xf32>
    %concatenate3A = tpu.concatenate %mul3A_10, %mul3A_21 in 1 : vector<1024x128xf32>, vector<1024x128xf32> -> vector<1024x256xf32>
    %get3A_22 = arith.constant 0 : index
    %get3A_23 = arith.constant 0 : index
    %get3A_24 = vector.load %arg6[%get3A_22, %get3A_23] : memref<256x256xf32, #tpu.memory_space<vmem>>, vector<256x256xf32>
    %dot_general3A = arith.constant dense<0.000000e+00> : vector<1024x256xf32>
    %dot_general3A_25 = tpu.matmul %concatenate3A, %get3A_24, %dot_general3A {dimension_numbers = #tpu.dot_dimension_numbers<[1], [0], [0], [1], [0, 0, 1, 1], [], []>, transpose_lhs_hint = false} : vector<1024x256xf32>, vector<256x256xf32>, vector<1024x256xf32> -> vector<1024x256xf32>
    %get3A_26 = arith.constant 0 : index
    %get3A_27 = arith.constant 0 : index
    %get3A_28 = vector.load %arg7[%get3A_26, %get3A_27] : memref<1x256xf32, #tpu.memory_space<vmem>>, vector<1x256xf32>
    %add3A_29 = vector.broadcast %get3A_28 : vector<1x256xf32> to vector<1024x256xf32>
    %add3A_30 = arith.addf %dot_general3A_25, %add3A_29 : vector<1024x256xf32>
    %max3A = arith.constant 0.000000e+00 : f32
    %max3A_31 = vector.broadcast %max3A : f32 to vector<1024x256xf32>
    %max3A_32 = arith.maximumf %add3A_30, %max3A_31 : vector<1024x256xf32>
    %mul3A_33 = vector.broadcast %get3A_1 : vector<1024x1xf32> to vector<1024x256xf32>
    %mul3A_34 = arith.mulf %max3A_32, %mul3A_33 : vector<1024x256xf32>
    %slice3A = vector.extract_strided_slice %mul3A_34 {offsets = [0, 0], sizes = [1024, 128], strides = [1, 1]} : vector<1024x256xf32> to vector<1024x128xf32>
    %swap3A = arith.constant 0 : index
    %swap3A_35 = arith.constant 0 : index
    %swap3A_36 = vector.load %arg8[%swap3A, %swap3A_35] : memref<1024x128xf32, #tpu.memory_space<vmem>>, vector<1024x128xf32>
    tpu.vector_store %arg8[%swap3A, %swap3A_35], %slice3A {strides = array<i32>} : memref<1024x128xf32, #tpu.memory_space<vmem>>, vector<1024x128xf32>,
    %slice3A_37 = vector.extract_strided_slice %mul3A_34 {offsets = [0, 128], sizes = [1024, 128], strides = [1, 1]} : vector<1024x256xf32> to vector<1024x128xf32>
    %swap3A_38 = arith.constant 0 : index
    %swap3A_39 = arith.constant 0 : index
    %swap3A_40 = vector.load %arg9[%swap3A_38, %swap3A_39] : memref<1024x128xf32, #tpu.memory_space<vmem>>, vector<1024x128xf32>
    tpu.vector_store %arg9[%swap3A_38, %swap3A_39], %slice3A_37 {strides = array<i32>} : memref<1024x128xf32, #tpu.memory_space<vmem>>, vector<1024x128xf32>,
    return
  }
  func.func @transform_0(%arg0: i32) -> (i32, i32, i32) {
    %c0_i32 = arith.constant 0 : i32
    %c0_i32_0 = arith.constant 0 : i32
    %c0_i32_1 = arith.constant 0 : i32
    return %c0_i32, %arg0, %c0_i32_0 : i32, i32, i32
  }
  func.func @transform_1(%arg0: i32) -> (i32, i32, i32) {
    %c1_i32 = arith.constant 1 : i32
    %c0_i32 = arith.constant 0 : i32
    %c0_i32_0 = arith.constant 0 : i32
    return %c1_i32, %arg0, %c0_i32 : i32, i32, i32
  }
  func.func @transform_2(%arg0: i32) -> (i32, i32) {
    %c0_i32 = arith.constant 0 : i32
    %c0_i32_0 = arith.constant 0 : i32
    return %arg0, %c0_i32 : i32, i32
  }
  func.func @transform_3(%arg0: i32) -> (i32, i32) {
    %c0_i32 = arith.constant 0 : i32
    %c0_i32_0 = arith.constant 0 : i32
    return %arg0, %c0_i32 : i32, i32
  }
  func.func @transform_4(%arg0: i32) -> (i32, i32) {
    %c0_i32 = arith.constant 0 : i32
    %c0_i32_0 = arith.constant 0 : i32
    return %arg0, %c0_i32 : i32, i32
  }
  func.func @transform_5(%arg0: i32) -> (i32, i32) {
    %c0_i32 = arith.constant 0 : i32
    %c0_i32_0 = arith.constant 0 : i32
    %c0_i32_1 = arith.constant 0 : i32
    return %c0_i32, %c0_i32_0 : i32, i32
  }
  func.func @transform_6(%arg0: i32) -> (i32, i32) {
    %c0_i32 = arith.constant 0 : i32
    %c0_i32_0 = arith.constant 0 : i32
    %c0_i32_1 = arith.constant 0 : i32
    return %c0_i32, %c0_i32_0 : i32, i32
  }
  func.func @transform_7(%arg0: i32) -> (i32, i32) {
    %c0_i32 = arith.constant 0 : i32
    %c0_i32_0 = arith.constant 0 : i32
    return %arg0, %c0_i32 : i32, i32
  }
  func.func @transform_8(%arg0: i32) -> (i32, i32) {
    %c0_i32 = arith.constant 0 : i32
    %c0_i32_0 = arith.constant 0 : i32
    return %arg0, %c0_i32 : i32, i32
  }
}

</mosaic_0001>

<sc_bundles>
// kernel: kernel.11.cloned.1.call-start
scs
__scs_entry_jumppad:
0x0: {  	(pc) =	sbr.rel $0x88, $3  }
0x1: {  	(tag) =	ssettag $0x0;
	lr =	simm.s32 $0x1  }
0x2: {  	[smem:$0x3F97] =	sst lr;
	_ =	strace $0xD0000000  }
0x3: {  	_ = 	snop  }
0x4: {  	_ = 	snop  }
0x5: {  	_ = 	snop  }
0x6: {  	_ = 	snop  }
0x7: {  	_ = 	snop  }
__scs_overlays_trampoline_lowered:
0x8: {  	[smem:$0x3FA6] =	sst s0  }
0x9: {  	[smem:$0x3FA7] =	sst s1  }
0xa: {  	[smem:$0x3FA8] =	sst s2  }
0xb: {  	[smem:$0x3FA9] =	sst s3  }
0xc: {  	[smem:$0x3FAA] =	sst s4  }
0xd: {  	[smem:$0x3FAB] =	sst s5  }
0xe: {  	[smem:$0x3FAC] =	sst s6  }
0xf: {  	[smem:$0x3FAD] =	sst s7  }
0x10: {  	[smem:$0x3FAE] =	sst s8  }
0x11: {  	[smem:$0x3FAF] =	sst s9;
	s0 =	simm.s32 @!p0 $0x0  }
0x12: {  	s1 =	sld [smem:$0x3F95];
	s0 =	simm.s32 @p0 $0x1  }
0x13: {  	[smem:$0x3FB0] =	sst s0;
	s0 =	simm.s32 @!p1 $0x0  }
0x14: {  	s2 =	sld [smem:$0x3F94];
	s0 =	simm.s32 @p1 $0x1  }
0x15: {  	[smem:$0x3FB1] =	sst s0;
	s0 =	simm.s32 @!p2 $0x0  }
0x16: {  	s3 =	sld [smem:$0x3FDB];
	s0 =	simm.s32 @p2 $0x1  }
0x17: {  	s4 =	simm.s32 $0x1BF5;
	[smem:$0x3FB3] =	sst s0  }
0x18: {  	s0 =	sld [smem:$0x3F96];
	_ =	swait.ge [sflag:s4], $0x0  }
0x19: {  	s7 =	sld [smem:$0x3F97]  }
0x1a: {  	s8 =	sadd.s32 $0xFFFFE003, lr  }
0x1b: {  	s9 =	sadd.s32 $0xFFFFFEF7, lr;
	s5 =	simm.s32 $0xFFFFFFFF;
	p2 =	slt.u32 s8, $0xFFFFF086  }
0x1c: {  	p1 =	slt.u32 s9, $0xF7A;
	s5 =	simm.s32 @!p2 $0x0  }
0x1d: {  	s5 =	simm.s32 @p1 $0x1;
	p0 =	seq.s32 s7, s2  }
0x1e: {  	s7 =	smul.u32 @!p0 $0xF7A, s2;
	p2 =	seq.s32 @!p0 s5, $0x0  }
0x1f: {  	s9 =	smul.u32 $0xF7A, s1;
	s8 =	simm.s32 @!p0 $0x1BF5;
	p2 =	por !p2, p0  }
0x20: {  	[sflag:s8] =	ssyncset.s32 @!p0 $0xFFFFF086;
	s6 =	sadd.s32 @!p0 s3, s7;
	s7 =	simm.s32 @!p0 $0x108  }
0x21: {  	s3 =	sadd.s32 s3, s9;
	s6 =	sadd.s32 @!p0 $0x88, s6;
	s7 =	simm.s32 @p2 $0x1082  }
0x22: {  	[simem:s7], [sflag:s8] =	dma.local @!p0 [hbm:s6], $0xF7A  }
0x23: {  	s9 =	sor.u32 $0xD0000000, s2;
	s6 =	simm.s32 $0x108;
	_ =	swait.ge @!p0 [sflag:s8], $0x0  }
0x24: {  	s3 =	sadd.s32 $0x88, s3;
	s6 =	simm.s32 @!p1 $0x1082;
	[sflag:s4] =	ssyncset.s32 $0xFFFFF086  }
0x25: {  	[simem:s6], [sflag:s4] =	dma.local [hbm:s3], $0xF7A  }
0x26: {  	[smem:$0x3F97] =	sst s1;
	(tag) =	ssettag s2;
	_ =	strace s9  }
0x27: {  	s1 =	sld [smem:$0x3FA7]  }
0x28: {  	s2 =	sld [smem:$0x3FA8]  }
0x29: {  	s4 =	sld [smem:$0x3FAA]  }
0x2a: {  	p0 =	seq.s32 s5, $0x0;
	s5 =	sld [smem:$0x3FAB]  }
0x2b: {  	s6 =	sld [smem:$0x3FAC]  }
0x2c: {  	s7 =	sld [smem:$0x3FAD]  }
0x2d: {  	s3 =	simm.s32 $0x108;
	s8 =	sld [smem:$0x3FAE]  }
0x2e: {  	s3 =	simm.s32 @!p0 $0x1082;
	s9 =	sld [smem:$0x3FAF]  }
0x2f: {  	lr =	sadd.s32 s0, s3;
	s0 =	sld [smem:$0x3FA6]  }
0x30: {  	s3 =	sld [smem:$0x3FA9]  }
0x31: {  	[smem:$0x3FB2] =	sst s10  }
0x32: {  	s10 =	sld [smem:$0x3FB0];
	_ =	sdelay $0x3  }
0x33: {  	p0 =	seq.s32 s10, $0x1;
	s10 =	sld [smem:$0x3FB2];
	_ =	sdelay $0x3  }
0x34: {  	[smem:$0x3FB2] =	sst s10  }
0x35: {  	s10 =	sld [smem:$0x3FB1];
	_ =	sdelay $0x3  }
0x36: {  	p1 =	seq.s32 s10, $0x1;
	s10 =	sld [smem:$0x3FB2];
	_ =	sdelay $0x3  }
0x37: {  	[smem:$0x3FB2] =	sst s10  }
0x38: {  	s10 =	sld [smem:$0x3FB3]  }
0x39: {  	_ = 	snop;
	(pc) =	sbr.ind lr, $3  }
0x3a: {  	_ = 	snop  }
0x3b: {  	_ = 	snop  }
0x3c: {  	p2 =	seq.s32 s10, $0x1;
	s10 =	sld [smem:$0x3FB2]  }
0x3d: {  	_ =	shalt  }
0x3e: {  	_ =	shalt  }
0x3f: {  	_ =	shalt  }
0x40: {  	_ =	shalt  }
0x41: {  	_ =	shalt  }
0x42: {  	_ =	shalt  }
0x43: {  	_ =	shalt  }
0x44: {  	_ =	shalt  }
0x45: {  	_ =	shalt  }
0x46: {  	_ =	shalt  }
0x47: {  	_ =	shalt  }
0x48: {  	_ =	shalt  }
0x49: {  	_ =	shalt  }
0x4a: {  	_ =	shalt  }
0x4b: {  	_ =	shalt  }
0x4c: {  	_ =	shalt  }
0x4d: {  	_ =	shalt  }
0x4e: {  	_ =	shalt  }
0x4f: {  	_ =	shalt  }
0x50: {  	_ =	shalt  }
0x51: {  	_ =	shalt  }
0x52: {  	_ =	shalt  }
0x53: {  	_ =	shalt  }
0x54: {  	_ =	shalt  }
0x55: {  	_ =	shalt  }
0x56: {  	_ =	shalt  }
0x57: {  	_ =	shalt  }
0x58: {  	_ =	shalt  }
0x59: {  	_ =	shalt  }
0x5a: {  	_ =	shalt  }
0x5b: {  	_ =	shalt  }
0x5c: {  	_ =	shalt  }
0x5d: {  	_ =	shalt  }
0x5e: {  	_ =	shalt  }
0x5f: {  	_ =	shalt  }
0x60: {  	_ =	shalt  }
0x61: {  	_ =	shalt  }
0x62: {  	_ =	shalt  }
0x63: {  	_ =	shalt  }
0x64: {  	_ =	shalt  }
0x65: {  	_ =	shalt  }
0x66: {  	_ =	shalt  }
0x67: {  	_ =	shalt  }
0x68: {  	_ =	shalt  }
0x69: {  	_ =	shalt  }
0x6a: {  	_ =	shalt  }
0x6b: {  	_ =	shalt  }
0x6c: {  	_ =	shalt  }
0x6d: {  	_ =	shalt  }
0x6e: {  	_ =	shalt  }
0x6f: {  	_ =	shalt  }
0x70: {  	_ =	shalt  }
0x71: {  	_ =	shalt  }
0x72: {  	_ =	shalt  }
0x73: {  	_ =	shalt  }
0x74: {  	_ =	shalt  }
0x75: {  	_ =	shalt  }
0x76: {  	_ =	shalt  }
0x77: {  	_ =	shalt  }
0x78: {  	_ =	shalt  }
0x79: {  	_ =	shalt  }
0x7a: {  	_ =	shalt  }
0x7b: {  	_ =	shalt  }
0x7c: {  	_ =	shalt  }
0x7d: {  	_ =	shalt  }
0x7e: {  	_ =	shalt  }
0x7f: {  	_ =	shalt  }
0x80: {  	_ =	shalt  }
0x81: {  	_ =	shalt  }
0x82: {  	_ =	shalt  }
0x83: {  	_ =	shalt  }
0x84: {  	_ =	shalt  }
0x85: {  	_ =	shalt  }
0x86: {  	_ =	shalt  }
0x87: {  	_ =	shalt  }
.Lfunc_end0:
.L_simem_size_0:
called_computation.1_lowered:
.L_overlay_start_0:
0x88: {  	s2 =	sld [smem:$0x3FD9]  }
0x89: {  	s3 =	sld [smem:$0x3FFE];
	_ =	sdelay $0x1  }
0x8a: {  	s1 =	srdreg.scid  }
0x8b: {  	s0 =	sand.u32 $0x1, s1  }
0x8c: {  	s14 =	sshll.u32 s0, $0xA;
	s2 =	sadd.s32 s3, s2  }
0x8d: {  	s2 =	sadd.s32 s2, s14  }
0x8e: {  	[smem:$0x3FBE] =	sst s2  }
0x8f: {  	_ = 	snop  }
0x90: {  	s2 =	sld [smem:$0x3FD0];
	_ =	sdelay $0x2  }
0x91: {  	s15 =	simm.s32 $0xA;
	s4 =	simm.s32 $0x10  }
0x92: {  	[smem:s4], [sflag:s15] =	dma.local [hbm:s2], $0x1  }
0x93: {  	_ =	swait.eq [sflag:s15], $0x1  }
0x94: {  	[sflag:s15] =	ssyncset.done $0x0  }
0x95: {  	s16 =	sld [smem:$0x10];
	[sflag:s15] =	ssyncadd.s32 $0xFFFFFFFF  }
0x96: {  	s17 =	sld [smem:$0x11];
	(tm) =	ssettm $0x1  }
0x97: {  	s18 =	sld [smem:$0x3FFB];
	_ =	sdelay $0x3  }
0x98: {  	_ =	strace s18  }
0x99: {  	s4 =	sld [smem:$0x3FFC];
	_ =	sdelay $0x3  }
0x9a: {  	_ =	strace s4  }
0x9b: {  	s4 =	sld [smem:$0x3FFD];
	_ =	sdelay $0x3  }
0x9c: {  	_ =	strace s4  }
0x9d: {  	_ =	strace $0x8FFFFFFF  }
0x9e: {  	s19 =	sld [smem:$0x3FDB];
	_ =	sdelay $0x1  }
0x9f: {  	s5 =	simm.s32 $_scs_section_size  }
0xa0: {  	s6 =	simm.s32 $_size__tile_overlayer_lowered;
	s7 =	simm.s32 $_tile_overlayer_lowered  }
0xa1: {  	s22 =	simm.s32 $0x1BFF;
	s21 =	sshll.u32 s7, $0x1;
	s4 =	sadd.s32 s5, s19  }
0xa2: {  	s8 =	simm.s32 $0x0;
	s20 =	sshll.u32 s6, $0x1;
	s6 =	sadd.s32 s21, s4  }
0xa3: {  	[timem:s8], [sflag:s22] =	dma.local [hbm:s6], s20  }
0xa4: {  	_ =	swait.ge [sflag:s22], s20  }
0xa5: {  	s5 =	ssub.s32 $0x0, s20;
	[sflag:s22] =	ssyncset.done $0x0  }
0xa6: {  	[sflag:s22] =	ssyncadd.s32 s5;
	_ =	sdelay $0x1  }
0xa7: {  	s23 =	simm.s32 $0x1B8B  }
0xa8: {  	_ =	swait.ge [sflag:s23], $0x1  }
0xa9: {  	[sflag:s23] =	ssyncset.done $0x0  }
0xaa: {  	s25 =	simm.s32 $0x1B8E;
	s24 =	sld [smem:$0x3FFE];
	[sflag:s23] =	ssyncadd.s32 $0xFFFFFFFF  }
0xab: {  	s26 =	simm.s32 $execute0_lowered;
	[smem:$0x3FD2] =	sst s25  }
0xac: {  	s6 =	sshll.u32 s26, $0x1;
	_ =	strace $0x80000049;
	[dreg:$0x1] =	wrdreg $0xFFFFFFFF  }
0xad: {  	s28 =	simm.s32 $_size_execute0_lowered;
	s4 =	sadd.s32 s4, s6;
	[dreg:$0x0] =	wrdreg $0x0  }
0xae: {  	s6 =	sshll.u32 s28, $0x1;
	[dreg:$0x2] =	wrdreg s4  }
0xaf: {  	[dreg:$0x3] =	wrdreg s6  }
0xb0: {  	[dreg:$0x4] =	wrdreg $0xC0  }
0xb1: {  	_ =	task [dreg:s8], $0x5FFFF  }
0xb2: {  	[dreg:$0x1] =	wrdreg $0xFFFFFFFF  }
0xb3: {  	[dreg:$0x0] =	wrdreg $0x60  }
0xb4: {  	[dreg:$0x2] =	wrdreg s16  }
0xb5: {  	[dreg:$0x3] =	wrdreg s24  }
0xb6: {  	[dreg:$0x4] =	wrdreg s17  }
0xb7: {  	[dreg:$0x5] =	wrdreg $0x52000  }
0xb8: {  	[dreg:$0x6] =	wrdreg $0x9  }
0xb9: {  	_ =	task.clear_ibuf [dreg:s8], $0x7FFFF;
	_ =	strace $0x90000049  }
0xba: {  	s29 =	simm.s32 $0x9;
	_ =	strace $0x8000004B  }
0xbb: {  	_ =	swait.ge [sflag:s29], $0x1  }
0xbc: {  	[sflag:s29] =	ssyncadd.s32 $0xFFFFFFFF  }
0xbd: {  	_ =	strace $0x9000004B  }
0xbe: {  	_ =	sfence  }
0xbf: {  	s30 =	sld [smem:$0x0];
	_ =	sdelay $0x2  }
0xc0: {  	s31 =	sshll.u32 s1, $0xD;
	s1 =	sshrl.u32 s1, $0x2  }
0xc1: {  	s3 =	sand.u32 $0x4000, s31;
	s1 =	sadd.s32 s1, s30  }
0xc2: {  	s0 =	sor.u32 s3, s0;
	s1 =	sshll.u32 s1, $0x11  }
0xc3: {  	s0 =	sor.u32 s1, s0  }
0xc4: {  	s0 =	sadd.s32 $0x8F2B, s0  }
0xc5: {  	[sflag:s0] =	ssyncadd.remote.s32 $0x1  }
0xc6: {  	_ =	sfence.sel $0xFFFF  }
0xc7: {  	[dreg:$0x0] =	wrdreg $0xFFFFFFFF;
	(pc) =	sbr.abs _section_cstart, $3  }
0xc8: {  	[dreg:$0x1] =	wrdreg $0xFFFFFFFF  }
0xc9: {  	_ =	task.clear_ibuf [dreg:s8], $0x2FFFF;
	_ =	strace $0x9FFFFFFF  }
0xca: {  	(tm) =	ssettm $0x7FFFFFFF  }
0xcb: {  	_ =	shalt  }
tec
execute0_lowered:
.L_overlay_start_1:
0x0: {  	(tag) =	ssettag $0x1  }
0x1: {  	s13 =	rddreg [dreg:$0x0]  }
0x2: {  	s12 =	rddreg [dreg:$0x1]  }
0x3: {  	s1 =	rddreg [dreg:$0x2]  }
0x4: {  	s2 =	rddreg [dreg:$0x3]  }
0x5: {  	s3 =	srdreg.scid;
	s0 =	rddreg [dreg:$0x4];
	s4 =	simm.s32 $0x0  }
0x6: {  	s16 =	simm.s32 $0xDC00;
	s18 =	simm.s32 $0x200;
	s19 =	simm.s32 $0x80  }
0x7: {  	s20 =	simm.s32 $0x2A00;
	s21 =	simm.s32 $0x100;
	s22 =	simm.s32 $0x1  }
0x8: {  	s23 =	simm.s32 $0x180;
	s24 =	simm.s32 $0x2;
	s7 =	sand.u32 $0x1, s3  }
0x9: {  	s25 =	simm.s32 $0x0;
	s3 =	stileid.u32;
	s5 =	smul.u32 $0x140000, s7  }
0xa: {  	[smem:$0x7FF] =	sst s4;
	s14 =	sadd.s32 $0x3E00, s12;
	s6 =	smul.u32 $0x13C00, s3  }
0xb: {  	_ =	strace $0x8000004A;
	s28 =	ssub.s32 $0x2, s7;
	s8 =	smul.u32 $0x4F000, s3  }
0xc: {  	s10 =	smul.u32 $0x4E20, s3;
	s30 =	sshll.u32 s3, $0x6;
	p0 =	seq.s32 s7, $0x0  }
0xd: {  	s17 =	smul.u32 $0x9C4, s3;
	s9 =	sshrl.u32 s28, $0x1;
	s16 =	simm.s32 @!p0 $0x35C00  }
0xe: {  	s5 =	sadd.s32 s6, s5;
	s9 =	ssub.s32 s28, s9;
	s29 =	sshrl.u32 s8, $0x2  }
0xf: {  	s10 =	sshrl.u32 s10, $0x3;
	s5 =	sshrl.u32 s5, $0x3;
	s15 =	sadd.s32 s29, s2  }
0x10: {  	s6 =	sadd.s32 s13, s10;
	s31 =	sadd.s32 s14, s10;
	s9 =	smax.u32 s9, $0x1  }
0x11: {  	s13 =	sadd.s32 s17, s13;
	s14 =	sadd.s32 s17, s14;
	s17 =	simm.s32 $0x50  }
0x12: {  	s11 =	sadd.s32 s5, s12;
	s5 =	sor.u32 $0x1C03, s30;
	s7 =	sadd.s32 $0xA, s6  }
0x13: {  	s10 =	sadd.s32 $0x9B0, s31;
	s12 =	sadd.s32 s16, s12;
	s15 =	sshrl.u32 s15, $0x3  }
0x14: {  	s16 =	simm.s32 $0x3;
	s8 =	sadd.s32 $0x85C00, s11;
	s11 =	sadd.s32 $0x9BA, s31  }
.LBB2_1:
0x15: {  	[spmem:s15], [sflag:s5] =	dma.local [hbm:s1], $0x2780  }
0x16: {  	_ =	swait.ge [sflag:s16], $0x2780  }
0x17: {  	[sflag:s16] =	ssyncset.done $0x0  }
0x18: {  	[sflag:s16] =	ssyncadd.s32 $0xFFFFD880  }
0x19: {  	[bflag:$0x0] =	sbarrier.arrive $0xFFFF  }
0x1a: {  	[tilespmem:s4], [sflag:$0x3] =	stream.linear.gather [hbm4b:s6+s4], $0x50, $0x38;
	[tilespmem:$0x18E00] =	vst v63  }
0x1b: {  	_ =	swait.ge [sflag:s16], $0x50  }
0x1c: {  	[sflag:s16] =	ssyncset.done $0x0  }
0x1d: {  	[sflag:s16] =	ssyncadd.s32 $0xFFFFFFB0  }
0x1e: {  	[tilespmem:s18], [sflag:$0x1] =	stream.indirect.gather [hbm4b:s12+s17], $0x80, s4, s17, $0xb8;
	[tilespmem:$0x18E00] =	vst v63  }
0x1f: {  	_ = 	snop  }
0x20: {  	[tilespmem:s19], [sflag:$0x3] =	stream.linear.gather [hbm4b:s7+s4], $0x50, $0x38;
	[tilespmem:$0x18E00] =	vst v63  }
0x21: {  	_ =	swait.ge [sflag:s16], $0x50  }
0x22: {  	[sflag:s16] =	ssyncset.done $0x0  }
0x23: {  	[sflag:s16] =	ssyncadd.s32 $0xFFFFFFB0  }
0x24: {  	[tilespmem:s20], [sflag:$0x2] =	stream.indirect.gather [hbm4b:s12+s17], $0x80, s19, s17, $0xb8;
	[tilespmem:$0x18E00] =	vst v63  }
0x25: {  	s26 =	sadd.s32 $0x0, s14  }
0x26: {  	[tilespmem:s21], [sflag:$0x3] =	stream.linear.gather [hbm4b:s26+s4], $0x50, $0x38;
	[tilespmem:$0x18E00] =	vst v63  }
0x27: {  	_ =	swait.ge [sflag:s16], $0x50  }
0x28: {  	[sflag:s16] =	ssyncset.done $0x0  }
0x29: {  	[sflag:s16] =	ssyncadd.s32 $0xFFFFFFB0  }
0x2a: {  	_ =	swait.ge [sflag:s22], $0x2800  }
0x2b: {  	[sflag:s22] =	ssyncset.done $0x0  }
0x2c: {  	[sflag:s22] =	ssyncadd.s32 $0xFFFFD800  }
0x2d: {  	[spmem:s2] =	stream.indirect.scatter.add.f32 [tilespmem:s18], [sflag:$0x3], $0x80, s21, s17, $0xb8;
	[tilespmem:$0x18E00] =	vst v63  }
0x2e: {  	_ =	swait.ge [sflag:s16], $0x2800  }
0x2f: {  	s28 =	sadd.s32 $0x0, s13;
	[sflag:s16] =	ssyncset.done $0x0  }
0x30: {  	s29 =	sadd.s32 $0x14, s28;
	[sflag:s16] =	ssyncadd.s32 $0xFFFFD800  }
0x31: {  	[tilespmem:s4], [sflag:$0x3] =	stream.linear.gather [hbm4b:s29+s4], $0x50, $0x38;
	[tilespmem:$0x18E00] =	vst v63  }
0x32: {  	_ =	swait.ge [sflag:s16], $0x50  }
0x33: {  	[sflag:s16] =	ssyncset.done $0x0  }
0x34: {  	[sflag:s16] =	ssyncadd.s32 $0xFFFFFFB0  }
0x35: {  	[tilespmem:s18], [sflag:$0x1] =	stream.indirect.gather [hbm4b:s12+s17], $0x80, s4, s17, $0xb8;
	[tilespmem:$0x18E00] =	vst v63  }
0x36: {  	s26 =	sadd.s32 $0xA, s26  }
0x37: {  	[tilespmem:s23], [sflag:$0x3] =	stream.linear.gather [hbm4b:s26+s4], $0x50, $0x38;
	[tilespmem:$0x18E00] =	vst v63  }
0x38: {  	_ =	swait.ge [sflag:s16], $0x50  }
0x39: {  	[sflag:s16] =	ssyncset.done $0x0  }
0x3a: {  	[sflag:s16] =	ssyncadd.s32 $0xFFFFFFB0  }
0x3b: {  	_ =	swait.ge [sflag:s24], $0x2800  }
0x3c: {  	[sflag:s24] =	ssyncset.done $0x0  }
0x3d: {  	[sflag:s24] =	ssyncadd.s32 $0xFFFFD800  }
0x3e: {  	[spmem:s2] =	stream.indirect.scatter.add.f32 [tilespmem:s20], [sflag:$0x3], $0x80, s23, s17, $0xb8;
	[tilespmem:$0x18E00] =	vst v63  }
0x3f: {  	_ =	swait.ge [sflag:s16], $0x2800  }
0x40: {  	[sflag:s16] =	ssyncset.done $0x0  }
0x41: {  	s31 =	sadd.s32 $0x1E, s28;
	[sflag:s16] =	ssyncadd.s32 $0xFFFFD800  }
0x42: {  	[tilespmem:s19], [sflag:$0x3] =	stream.linear.gather [hbm4b:s31+s4], $0x50, $0x38;
	[tilespmem:$0x18E00] =	vst v63  }
0x43: {  	_ =	swait.ge [sflag:s16], $0x50  }
0x44: {  	[sflag:s16] =	ssyncset.done $0x0  }
0x45: {  	s26 =	simm.s32 $0x14;
	[sflag:s16] =	ssyncadd.s32 $0xFFFFFFB0  }
.LBB2_2:
0x46: {  	[tilespmem:s20], [sflag:$0x2] =	stream.indirect.gather [hbm4b:s12+s17], $0x80, s19, s17, $0xb8;
	[tilespmem:$0x18E00] =	vst v63  }
0x47: {  	s28 =	smov.u32 s26  }
0x48: {  	p0 =	sne.s32 s26, $0x99C;
	s26 =	sadd.s32 $0x14, s26;
	s29 =	sadd.s32 s28, s14  }
0x49: {  	[tilespmem:s21], [sflag:$0x3] =	stream.linear.gather [hbm4b:s29+s4], $0x50, $0x38;
	[tilespmem:$0x18E00] =	vst v63  }
0x4a: {  	_ =	swait.ge [sflag:s16], $0x50  }
0x4b: {  	[sflag:s16] =	ssyncset.done $0x0  }
0x4c: {  	[sflag:s16] =	ssyncadd.s32 $0xFFFFFFB0  }
0x4d: {  	_ =	swait.ge [sflag:s22], $0x2800  }
0x4e: {  	[sflag:s22] =	ssyncset.done $0x0  }
0x4f: {  	[sflag:s22] =	ssyncadd.s32 $0xFFFFD800  }
0x50: {  	[spmem:s2] =	stream.indirect.scatter.add.f32 [tilespmem:s18], [sflag:$0x3], $0x80, s21, s17, $0xb8;
	[tilespmem:$0x18E00] =	vst v63  }
0x51: {  	_ =	swait.ge [sflag:s16], $0x2800  }
0x52: {  	s28 =	sadd.s32 s28, s13;
	[sflag:s16] =	ssyncset.done $0x0  }
0x53: {  	s30 =	sadd.s32 $0x14, s28;
	[sflag:s16] =	ssyncadd.s32 $0xFFFFD800  }
0x54: {  	[tilespmem:s4], [sflag:$0x3] =	stream.linear.gather [hbm4b:s30+s4], $0x50, $0x38;
	[tilespmem:$0x18E00] =	vst v63  }
0x55: {  	_ =	swait.ge [sflag:s16], $0x50  }
0x56: {  	[sflag:s16] =	ssyncset.done $0x0  }
0x57: {  	[sflag:s16] =	ssyncadd.s32 $0xFFFFFFB0  }
0x58: {  	[tilespmem:s18], [sflag:$0x1] =	stream.indirect.gather [hbm4b:s12+s17], $0x80, s4, s17, $0xb8;
	[tilespmem:$0x18E00] =	vst v63  }
0x59: {  	s29 =	sadd.s32 $0xA, s29  }
0x5a: {  	[tilespmem:s23], [sflag:$0x3] =	stream.linear.gather [hbm4b:s29+s4], $0x50, $0x38;
	[tilespmem:$0x18E00] =	vst v63  }
0x5b: {  	_ =	swait.ge [sflag:s16], $0x50  }
0x5c: {  	[sflag:s16] =	ssyncset.done $0x0  }
0x5d: {  	[sflag:s16] =	ssyncadd.s32 $0xFFFFFFB0  }
0x5e: {  	_ =	swait.ge [sflag:s24], $0x2800  }
0x5f: {  	[sflag:s24] =	ssyncset.done $0x0  }
0x60: {  	[sflag:s24] =	ssyncadd.s32 $0xFFFFD800  }
0x61: {  	[spmem:s2] =	stream.indirect.scatter.add.f32 [tilespmem:s20], [sflag:$0x3], $0x80, s23, s17, $0xb8;
	[tilespmem:$0x18E00] =	vst v63  }
0x62: {  	_ =	swait.ge [sflag:s16], $0x2800  }
0x63: {  	[sflag:s16] =	ssyncset.done $0x0  }
.Ltmp0:
0x64: {  	s28 =	sadd.s32 $0x1E, s28;
	[sflag:s16] =	ssyncadd.s32 $0xFFFFD800;
	(pc) =	sbr.rel @p0 .LBB2_2-.Ltmp0, $4  }
0x65: {  	[tilespmem:s19], [sflag:$0x3] =	stream.linear.gather [hbm4b:s28+s4], $0x50, $0x38;
	[tilespmem:$0x18E00] =	vst v63  }
0x66: {  	_ =	swait.ge [sflag:s16], $0x50  }
0x67: {  	[sflag:s16] =	ssyncset.done $0x0  }
0x68: {  	[sflag:s16] =	ssyncadd.s32 $0xFFFFFFB0  }
0x69: {  	[tilespmem:s20], [sflag:$0x2] =	stream.indirect.gather [hbm4b:s12+s17], $0x80, s19, s17, $0xb8;
	[tilespmem:$0x18E00] =	vst v63  }
0x6a: {  	_ = 	snop  }
0x6b: {  	[tilespmem:s21], [sflag:$0x3] =	stream.linear.gather [hbm4b:s10+s4], $0x50, $0x38;
	[tilespmem:$0x18E00] =	vst v63  }
0x6c: {  	_ =	swait.ge [sflag:s16], $0x50  }
0x6d: {  	[sflag:s16] =	ssyncset.done $0x0  }
0x6e: {  	[sflag:s16] =	ssyncadd.s32 $0xFFFFFFB0  }
0x6f: {  	_ =	swait.ge [sflag:s22], $0x2800  }
0x70: {  	[sflag:s22] =	ssyncset.done $0x0  }
0x71: {  	[sflag:s22] =	ssyncadd.s32 $0xFFFFD800  }
0x72: {  	[spmem:s2] =	stream.indirect.scatter.add.f32 [tilespmem:s18], [sflag:$0x3], $0x80, s21, s17, $0xb8;
	[tilespmem:$0x18E00] =	vst v63  }
0x73: {  	_ =	swait.ge [sflag:s16], $0x2800  }
0x74: {  	[sflag:s16] =	ssyncset.done $0x0  }
0x75: {  	[sflag:s16] =	ssyncadd.s32 $0xFFFFD800  }
0x76: {  	[tilespmem:s23], [sflag:$0x3] =	stream.linear.gather [hbm4b:s11+s4], $0x50, $0x38;
	[tilespmem:$0x18E00] =	vst v63  }
0x77: {  	_ =	swait.ge [sflag:s16], $0x50  }
0x78: {  	[sflag:s16] =	ssyncset.done $0x0  }
0x79: {  	[sflag:s16] =	ssyncadd.s32 $0xFFFFFFB0  }
0x7a: {  	_ =	swait.ge [sflag:s24], $0x2800  }
0x7b: {  	[sflag:s24] =	ssyncset.done $0x0  }
0x7c: {  	[sflag:s24] =	ssyncadd.s32 $0xFFFFD800  }
0x7d: {  	[spmem:s2] =	stream.indirect.scatter.add.f32 [tilespmem:s20], [sflag:$0x3], $0x80, s23, s17, $0xb8;
	[tilespmem:$0x18E00] =	vst v63  }
0x7e: {  	_ =	swait.ge [sflag:s16], $0x2800  }
0x7f: {  	s25 =	sadd.s32 $0x1, s25;
	[sflag:s16] =	ssyncset.done $0x0  }
0x80: {  	p0 =	sne.s32 s25, s9;
	[sflag:s16] =	ssyncadd.s32 $0xFFFFD800  }
.Ltmp1:
0x81: {  	[bflag:$0x0] =	sbarrier.arrive $0xFFFF;
	(pc) =	sbr.rel @p0 .LBB2_1-.Ltmp1, $4  }
0x82: {  	[hbm:s8], [sflag:s5] =	dma.local [spmem:s15], $0x2780  }
0x83: {  	_ =	swait.ge [sflag:s16], $0x2780  }
0x84: {  	[sflag:s16] =	ssyncset.done $0x0  }
0x85: {  	[sflag:s16] =	ssyncadd.s32 $0xFFFFD880  }
0x86: {  	_ =	sfence.sel $0x180000  }
0x87: {  	[bflag:$0x0] =	sbarrier.arrive $0xFFFF  }
0x88: {  	p0 =	sne.s32 s3, $0x0;
	_ =	strace $0x9000004A  }
0x89: {  	s0 =	sadd.s32 @!p0 $0x100000, s0;
	[bflag:$0x2] =	sbarrier.arrive $0xFFFF  }
0x8a: {  	[sflag:s0] =	ssyncadd.tile.s32 @!p0 $0x1;
	_ =	shalt  }
.Lfunc_end2:
_tile_overlayer_lowered:
.L_overlay_start_2:
0x8b: {  	(tag) =	ssettag $0x2  }
0x8c: {  	s0 =	rddreg [dreg:$0x0];
	s2 =	stileid.u32  }
0x8d: {  	s1 =	rddreg [dreg:$0x1];
	p0 =	sne.s32 s2, $0x0  }
0x8e: {  	s3 =	rddreg [dreg:$0x2];
	[bflag:$0x3] =	sbarrier.arrive $0xFFFF;
	s2 =	simm.s32 @!p0 $0x1C03  }
0x8f: {  	[timem:s3], [sflag:s2] =	dma.local @!p0 [hbm:s0], s1  }
0x90: {  	s0 =	simm.s32 @!p0 $0x3  }
0x91: {  	_ =	swait.ge @!p0 [sflag:s0], s1  }
0x92: {  	s1 =	ssub.s32 @!p0 $0x0, s1;
	[sflag:s0] =	ssyncset.done @!p0 $0x0  }
0x93: {  	[sflag:s0] =	ssyncadd.s32 @!p0 s1  }
0x94: {  	[bflag:$0x3] =	sbarrier.arrive $0xFFFF  }
0x95: {  	_ =	shalt  }

// kernel: kernel.14.cloned.1.call-start
scs
__scs_entry_jumppad:
0x0: {  	(pc) =	sbr.rel $0x88, $3  }
0x1: {  	(tag) =	ssettag $0x0;
	lr =	simm.s32 $0x1  }
0x2: {  	[smem:$0x3F97] =	sst lr;
	_ =	strace $0xD0000000  }
0x3: {  	_ = 	snop  }
0x4: {  	_ = 	snop  }
0x5: {  	_ = 	snop  }
0x6: {  	_ = 	snop  }
0x7: {  	_ = 	snop  }
__scs_overlays_trampoline_lowered:
0x8: {  	[smem:$0x3FA6] =	sst s0  }
0x9: {  	[smem:$0x3FA7] =	sst s1  }
0xa: {  	[smem:$0x3FA8] =	sst s2  }
0xb: {  	[smem:$0x3FA9] =	sst s3  }
0xc: {  	[smem:$0x3FAA] =	sst s4  }
0xd: {  	[smem:$0x3FAB] =	sst s5  }
0xe: {  	[smem:$0x3FAC] =	sst s6  }
0xf: {  	[smem:$0x3FAD] =	sst s7  }
0x10: {  	[smem:$0x3FAE] =	sst s8  }
0x11: {  	[smem:$0x3FAF] =	sst s9;
	s0 =	simm.s32 @!p0 $0x0  }
0x12: {  	s1 =	sld [smem:$0x3F95];
	s0 =	simm.s32 @p0 $0x1  }
0x13: {  	[smem:$0x3FB0] =	sst s0;
	s0 =	simm.s32 @!p1 $0x0  }
0x14: {  	s2 =	sld [smem:$0x3F94];
	s0 =	simm.s32 @p1 $0x1  }
0x15: {  	[smem:$0x3FB1] =	sst s0;
	s0 =	simm.s32 @!p2 $0x0  }
0x16: {  	s3 =	sld [smem:$0x3FDB];
	s0 =	simm.s32 @p2 $0x1  }
0x17: {  	s4 =	simm.s32 $0x1BF5;
	[smem:$0x3FB3] =	sst s0  }
0x18: {  	s0 =	sld [smem:$0x3F96];
	_ =	swait.ge [sflag:s4], $0x0  }
0x19: {  	s7 =	sld [smem:$0x3F97]  }
0x1a: {  	s8 =	sadd.s32 $0xFFFFE003, lr  }
0x1b: {  	s9 =	sadd.s32 $0xFFFFFEF7, lr;
	s5 =	simm.s32 $0xFFFFFFFF;
	p2 =	slt.u32 s8, $0xFFFFF086  }
0x1c: {  	p1 =	slt.u32 s9, $0xF7A;
	s5 =	simm.s32 @!p2 $0x0  }
0x1d: {  	s5 =	simm.s32 @p1 $0x1;
	p0 =	seq.s32 s7, s2  }
0x1e: {  	s7 =	smul.u32 @!p0 $0xF7A, s2;
	p2 =	seq.s32 @!p0 s5, $0x0  }
0x1f: {  	s9 =	smul.u32 $0xF7A, s1;
	s8 =	simm.s32 @!p0 $0x1BF5;
	p2 =	por !p2, p0  }
0x20: {  	[sflag:s8] =	ssyncset.s32 @!p0 $0xFFFFF086;
	s6 =	sadd.s32 @!p0 s3, s7;
	s7 =	simm.s32 @!p0 $0x108  }
0x21: {  	s3 =	sadd.s32 s3, s9;
	s6 =	sadd.s32 @!p0 $0x88, s6;
	s7 =	simm.s32 @p2 $0x1082  }
0x22: {  	[simem:s7], [sflag:s8] =	dma.local @!p0 [hbm:s6], $0xF7A  }
0x23: {  	s9 =	sor.u32 $0xD0000000, s2;
	s6 =	simm.s32 $0x108;
	_ =	swait.ge @!p0 [sflag:s8], $0x0  }
0x24: {  	s3 =	sadd.s32 $0x88, s3;
	s6 =	simm.s32 @!p1 $0x1082;
	[sflag:s4] =	ssyncset.s32 $0xFFFFF086  }
0x25: {  	[simem:s6], [sflag:s4] =	dma.local [hbm:s3], $0xF7A  }
0x26: {  	[smem:$0x3F97] =	sst s1;
	(tag) =	ssettag s2;
	_ =	strace s9  }
0x27: {  	s1 =	sld [smem:$0x3FA7]  }
0x28: {  	s2 =	sld [smem:$0x3FA8]  }
0x29: {  	s4 =	sld [smem:$0x3FAA]  }
0x2a: {  	p0 =	seq.s32 s5, $0x0;
	s5 =	sld [smem:$0x3FAB]  }
0x2b: {  	s6 =	sld [smem:$0x3FAC]  }
0x2c: {  	s7 =	sld [smem:$0x3FAD]  }
0x2d: {  	s3 =	simm.s32 $0x108;
	s8 =	sld [smem:$0x3FAE]  }
0x2e: {  	s3 =	simm.s32 @!p0 $0x1082;
	s9 =	sld [smem:$0x3FAF]  }
0x2f: {  	lr =	sadd.s32 s0, s3;
	s0 =	sld [smem:$0x3FA6]  }
0x30: {  	s3 =	sld [smem:$0x3FA9]  }
0x31: {  	[smem:$0x3FB2] =	sst s10  }
0x32: {  	s10 =	sld [smem:$0x3FB0];
	_ =	sdelay $0x3  }
0x33: {  	p0 =	seq.s32 s10, $0x1;
	s10 =	sld [smem:$0x3FB2];
	_ =	sdelay $0x3  }
0x34: {  	[smem:$0x3FB2] =	sst s10  }
0x35: {  	s10 =	sld [smem:$0x3FB1];
	_ =	sdelay $0x3  }
0x36: {  	p1 =	seq.s32 s10, $0x1;
	s10 =	sld [smem:$0x3FB2];
	_ =	sdelay $0x3  }
0x37: {  	[smem:$0x3FB2] =	sst s10  }
0x38: {  	s10 =	sld [smem:$0x3FB3]  }
0x39: {  	_ = 	snop;
	(pc) =	sbr.ind lr, $3  }
0x3a: {  	_ = 	snop  }
0x3b: {  	_ = 	snop  }
0x3c: {  	p2 =	seq.s32 s10, $0x1;
	s10 =	sld [smem:$0x3FB2]  }
0x3d: {  	_ =	shalt  }
0x3e: {  	_ =	shalt  }
0x3f: {  	_ =	shalt  }
0x40: {  	_ =	shalt  }
0x41: {  	_ =	shalt  }
0x42: {  	_ =	shalt  }
0x43: {  	_ =	shalt  }
0x44: {  	_ =	shalt  }
0x45: {  	_ =	shalt  }
0x46: {  	_ =	shalt  }
0x47: {  	_ =	shalt  }
0x48: {  	_ =	shalt  }
0x49: {  	_ =	shalt  }
0x4a: {  	_ =	shalt  }
0x4b: {  	_ =	shalt  }
0x4c: {  	_ =	shalt  }
0x4d: {  	_ =	shalt  }
0x4e: {  	_ =	shalt  }
0x4f: {  	_ =	shalt  }
0x50: {  	_ =	shalt  }
0x51: {  	_ =	shalt  }
0x52: {  	_ =	shalt  }
0x53: {  	_ =	shalt  }
0x54: {  	_ =	shalt  }
0x55: {  	_ =	shalt  }
0x56: {  	_ =	shalt  }
0x57: {  	_ =	shalt  }
0x58: {  	_ =	shalt  }
0x59: {  	_ =	shalt  }
0x5a: {  	_ =	shalt  }
0x5b: {  	_ =	shalt  }
0x5c: {  	_ =	shalt  }
0x5d: {  	_ =	shalt  }
0x5e: {  	_ =	shalt  }
0x5f: {  	_ =	shalt  }
0x60: {  	_ =	shalt  }
0x61: {  	_ =	shalt  }
0x62: {  	_ =	shalt  }
0x63: {  	_ =	shalt  }
0x64: {  	_ =	shalt  }
0x65: {  	_ =	shalt  }
0x66: {  	_ =	shalt  }
0x67: {  	_ =	shalt  }
0x68: {  	_ =	shalt  }
0x69: {  	_ =	shalt  }
0x6a: {  	_ =	shalt  }
0x6b: {  	_ =	shalt  }
0x6c: {  	_ =	shalt  }
0x6d: {  	_ =	shalt  }
0x6e: {  	_ =	shalt  }
0x6f: {  	_ =	shalt  }
0x70: {  	_ =	shalt  }
0x71: {  	_ =	shalt  }
0x72: {  	_ =	shalt  }
0x73: {  	_ =	shalt  }
0x74: {  	_ =	shalt  }
0x75: {  	_ =	shalt  }
0x76: {  	_ =	shalt  }
0x77: {  	_ =	shalt  }
0x78: {  	_ =	shalt  }
0x79: {  	_ =	shalt  }
0x7a: {  	_ =	shalt  }
0x7b: {  	_ =	shalt  }
0x7c: {  	_ =	shalt  }
0x7d: {  	_ =	shalt  }
0x7e: {  	_ =	shalt  }
0x7f: {  	_ =	shalt  }
0x80: {  	_ =	shalt  }
0x81: {  	_ =	shalt  }
0x82: {  	_ =	shalt  }
0x83: {  	_ =	shalt  }
0x84: {  	_ =	shalt  }
0x85: {  	_ =	shalt  }
0x86: {  	_ =	shalt  }
0x87: {  	_ =	shalt  }
.Lfunc_end0:
.L_simem_size_0:
called_computation.2_lowered:
.L_overlay_start_0:
0x88: {  	s2 =	sld [smem:$0x3FD9]  }
0x89: {  	s3 =	sld [smem:$0x3FFE];
	_ =	sdelay $0x1  }
0x8a: {  	s1 =	srdreg.scid  }
0x8b: {  	s0 =	sand.u32 $0x1, s1  }
0x8c: {  	s14 =	sshll.u32 s0, $0xA;
	s2 =	sadd.s32 s3, s2  }
0x8d: {  	s2 =	sadd.s32 s2, s14  }
0x8e: {  	[smem:$0x3FBE] =	sst s2  }
0x8f: {  	_ = 	snop  }
0x90: {  	s2 =	sld [smem:$0x3FD0];
	_ =	sdelay $0x2  }
0x91: {  	s15 =	simm.s32 $0xA;
	s4 =	simm.s32 $0x10  }
0x92: {  	[smem:s4], [sflag:s15] =	dma.local [hbm:s2], $0x1  }
0x93: {  	_ =	swait.eq [sflag:s15], $0x1  }
0x94: {  	[sflag:s15] =	ssyncset.done $0x0  }
0x95: {  	s16 =	sld [smem:$0x10];
	[sflag:s15] =	ssyncadd.s32 $0xFFFFFFFF  }
0x96: {  	s17 =	sld [smem:$0x11];
	(tm) =	ssettm $0x1  }
0x97: {  	s18 =	sld [smem:$0x3FFB];
	_ =	sdelay $0x3  }
0x98: {  	_ =	strace s18  }
0x99: {  	s4 =	sld [smem:$0x3FFC];
	_ =	sdelay $0x3  }
0x9a: {  	_ =	strace s4  }
0x9b: {  	s4 =	sld [smem:$0x3FFD];
	_ =	sdelay $0x3  }
0x9c: {  	_ =	strace s4  }
0x9d: {  	_ =	strace $0x8FFFFFFF  }
0x9e: {  	s19 =	sld [smem:$0x3FDB];
	_ =	sdelay $0x1  }
0x9f: {  	s5 =	simm.s32 $_scs_section_size  }
0xa0: {  	s6 =	simm.s32 $_size__tile_overlayer_lowered;
	s7 =	simm.s32 $_tile_overlayer_lowered  }
0xa1: {  	s22 =	simm.s32 $0x1BFF;
	s21 =	sshll.u32 s7, $0x1;
	s4 =	sadd.s32 s5, s19  }
0xa2: {  	s8 =	simm.s32 $0x0;
	s20 =	sshll.u32 s6, $0x1;
	s6 =	sadd.s32 s21, s4  }
0xa3: {  	[timem:s8], [sflag:s22] =	dma.local [hbm:s6], s20  }
0xa4: {  	_ =	swait.ge [sflag:s22], s20  }
0xa5: {  	s5 =	ssub.s32 $0x0, s20;
	[sflag:s22] =	ssyncset.done $0x0  }
0xa6: {  	[sflag:s22] =	ssyncadd.s32 s5;
	_ =	sdelay $0x1  }
0xa7: {  	s23 =	simm.s32 $0x1B8B  }
0xa8: {  	_ =	swait.ge [sflag:s23], $0x1  }
0xa9: {  	[sflag:s23] =	ssyncset.done $0x0  }
0xaa: {  	s25 =	simm.s32 $0x1B8E;
	s24 =	sld [smem:$0x3FFE];
	[sflag:s23] =	ssyncadd.s32 $0xFFFFFFFF  }
0xab: {  	s26 =	simm.s32 $execute0_lowered;
	[smem:$0x3FD2] =	sst s25  }
0xac: {  	s6 =	sshll.u32 s26, $0x1;
	_ =	strace $0x8000004C;
	[dreg:$0x1] =	wrdreg $0xFFFFFFFF  }
0xad: {  	s28 =	simm.s32 $_size_execute0_lowered;
	s4 =	sadd.s32 s4, s6;
	[dreg:$0x0] =	wrdreg $0x0  }
0xae: {  	s6 =	sshll.u32 s28, $0x1;
	[dreg:$0x2] =	wrdreg s4  }
0xaf: {  	[dreg:$0x3] =	wrdreg s6  }
0xb0: {  	[dreg:$0x4] =	wrdreg $0xC0  }
0xb1: {  	_ =	task [dreg:s8], $0x5FFFF  }
0xb2: {  	[dreg:$0x1] =	wrdreg $0xFFFFFFFF  }
0xb3: {  	[dreg:$0x0] =	wrdreg $0x60  }
0xb4: {  	[dreg:$0x2] =	wrdreg s16  }
0xb5: {  	[dreg:$0x3] =	wrdreg s24  }
0xb6: {  	[dreg:$0x4] =	wrdreg s17  }
0xb7: {  	[dreg:$0x5] =	wrdreg $0x52000  }
0xb8: {  	[dreg:$0x6] =	wrdreg $0x9  }
0xb9: {  	_ =	task.clear_ibuf [dreg:s8], $0x7FFFF;
	_ =	strace $0x9000004C  }
0xba: {  	s29 =	simm.s32 $0x9;
	_ =	strace $0x8000004E  }
0xbb: {  	_ =	swait.ge [sflag:s29], $0x1  }
0xbc: {  	[sflag:s29] =	ssyncadd.s32 $0xFFFFFFFF  }
0xbd: {  	_ =	strace $0x9000004E  }
0xbe: {  	_ =	sfence  }
0xbf: {  	s30 =	sld [smem:$0x0];
	_ =	sdelay $0x2  }
0xc0: {  	s31 =	sshll.u32 s1, $0xD;
	s1 =	sshrl.u32 s1, $0x2  }
0xc1: {  	s3 =	sand.u32 $0x4000, s31;
	s1 =	sadd.s32 s1, s30  }
0xc2: {  	s0 =	sor.u32 s3, s0;
	s1 =	sshll.u32 s1, $0x11  }
0xc3: {  	s0 =	sor.u32 s1, s0  }
0xc4: {  	s0 =	sadd.s32 $0x8F2B, s0  }
0xc5: {  	[sflag:s0] =	ssyncadd.remote.s32 $0x1  }
0xc6: {  	_ =	sfence.sel $0xFFFF  }
0xc7: {  	[dreg:$0x0] =	wrdreg $0xFFFFFFFF;
	(pc) =	sbr.abs _section_cstart, $3  }
0xc8: {  	[dreg:$0x1] =	wrdreg $0xFFFFFFFF  }
0xc9: {  	_ =	task.clear_ibuf [dreg:s8], $0x2FFFF;
	_ =	strace $0x9FFFFFFF  }
0xca: {  	(tm) =	ssettm $0x7FFFFFFF  }
0xcb: {  	_ =	shalt  }
tec
execute0_lowered:
.L_overlay_start_1:
0x0: {  	(tag) =	ssettag $0x1  }
0x1: {  	s13 =	rddreg [dreg:$0x0]  }
0x2: {  	s12 =	rddreg [dreg:$0x1]  }
0x3: {  	s1 =	rddreg [dreg:$0x2]  }
0x4: {  	s2 =	rddreg [dreg:$0x3]  }
0x5: {  	s3 =	srdreg.scid;
	s0 =	rddreg [dreg:$0x4];
	s4 =	simm.s32 $0x0  }
0x6: {  	s16 =	simm.s32 $0xDC00;
	s18 =	simm.s32 $0x200;
	s19 =	simm.s32 $0x80  }
0x7: {  	s20 =	simm.s32 $0x2A00;
	s21 =	simm.s32 $0x100;
	s22 =	simm.s32 $0x1  }
0x8: {  	s23 =	simm.s32 $0x180;
	s24 =	simm.s32 $0x2;
	s7 =	sand.u32 $0x1, s3  }
0x9: {  	s25 =	simm.s32 $0x0;
	s3 =	stileid.u32;
	s5 =	smul.u32 $0x140000, s7  }
0xa: {  	[smem:$0x7FF] =	sst s4;
	s14 =	sadd.s32 $0x3E00, s12;
	s6 =	smul.u32 $0x13C00, s3  }
0xb: {  	_ =	strace $0x8000004D;
	s28 =	ssub.s32 $0x2, s7;
	s8 =	smul.u32 $0x4F000, s3  }
0xc: {  	s10 =	smul.u32 $0x4E20, s3;
	s30 =	sshll.u32 s3, $0x6;
	p0 =	seq.s32 s7, $0x0  }
0xd: {  	s17 =	smul.u32 $0x9C4, s3;
	s9 =	sshrl.u32 s28, $0x1;
	s16 =	simm.s32 @!p0 $0x35C00  }
0xe: {  	s5 =	sadd.s32 s6, s5;
	s9 =	ssub.s32 s28, s9;
	s29 =	sshrl.u32 s8, $0x2  }
0xf: {  	s10 =	sshrl.u32 s10, $0x3;
	s5 =	sshrl.u32 s5, $0x3;
	s15 =	sadd.s32 s29, s2  }
0x10: {  	s6 =	sadd.s32 s13, s10;
	s31 =	sadd.s32 s14, s10;
	s9 =	smax.u32 s9, $0x1  }
0x11: {  	s13 =	sadd.s32 s17, s13;
	s14 =	sadd.s32 s17, s14;
	s17 =	simm.s32 $0x50  }
0x12: {  	s11 =	sadd.s32 s5, s12;
	s5 =	sor.u32 $0x1C03, s30;
	s7 =	sadd.s32 $0xA, s6  }
0x13: {  	s10 =	sadd.s32 $0x9B0, s31;
	s12 =	sadd.s32 s16, s12;
	s15 =	sshrl.u32 s15, $0x3  }
0x14: {  	s16 =	simm.s32 $0x3;
	s8 =	sadd.s32 $0x85C00, s11;
	s11 =	sadd.s32 $0x9BA, s31  }
.LBB2_1:
0x15: {  	[spmem:s15], [sflag:s5] =	dma.local [hbm:s1], $0x2780  }
0x16: {  	_ =	swait.ge [sflag:s16], $0x2780  }
0x17: {  	[sflag:s16] =	ssyncset.done $0x0  }
0x18: {  	[sflag:s16] =	ssyncadd.s32 $0xFFFFD880  }
0x19: {  	[bflag:$0x0] =	sbarrier.arrive $0xFFFF  }
0x1a: {  	[tilespmem:s4], [sflag:$0x3] =	stream.linear.gather [hbm4b:s6+s4], $0x50, $0x38;
	[tilespmem:$0x18E00] =	vst v63  }
0x1b: {  	_ =	swait.ge [sflag:s16], $0x50  }
0x1c: {  	[sflag:s16] =	ssyncset.done $0x0  }
0x1d: {  	[sflag:s16] =	ssyncadd.s32 $0xFFFFFFB0  }
0x1e: {  	[tilespmem:s18], [sflag:$0x1] =	stream.indirect.gather [hbm4b:s12+s17], $0x80, s4, s17, $0xb8;
	[tilespmem:$0x18E00] =	vst v63  }
0x1f: {  	_ = 	snop  }
0x20: {  	[tilespmem:s19], [sflag:$0x3] =	stream.linear.gather [hbm4b:s7+s4], $0x50, $0x38;
	[tilespmem:$0x18E00] =	vst v63  }
0x21: {  	_ =	swait.ge [sflag:s16], $0x50  }
0x22: {  	[sflag:s16] =	ssyncset.done $0x0  }
0x23: {  	[sflag:s16] =	ssyncadd.s32 $0xFFFFFFB0  }
0x24: {  	[tilespmem:s20], [sflag:$0x2] =	stream.indirect.gather [hbm4b:s12+s17], $0x80, s19, s17, $0xb8;
	[tilespmem:$0x18E00] =	vst v63  }
0x25: {  	s26 =	sadd.s32 $0x0, s14  }
0x26: {  	[tilespmem:s21], [sflag:$0x3] =	stream.linear.gather [hbm4b:s26+s4], $0x50, $0x38;
	[tilespmem:$0x18E00] =	vst v63  }
0x27: {  	_ =	swait.ge [sflag:s16], $0x50  }
0x28: {  	[sflag:s16] =	ssyncset.done $0x0  }
0x29: {  	[sflag:s16] =	ssyncadd.s32 $0xFFFFFFB0  }
0x2a: {  	_ =	swait.ge [sflag:s22], $0x2800  }
0x2b: {  	[sflag:s22] =	ssyncset.done $0x0  }
0x2c: {  	[sflag:s22] =	ssyncadd.s32 $0xFFFFD800  }
0x2d: {  	[spmem:s2] =	stream.indirect.scatter.add.f32 [tilespmem:s18], [sflag:$0x3], $0x80, s21, s17, $0xb8;
	[tilespmem:$0x18E00] =	vst v63  }
0x2e: {  	_ =	swait.ge [sflag:s16], $0x2800  }
0x2f: {  	s28 =	sadd.s32 $0x0, s13;
	[sflag:s16] =	ssyncset.done $0x0  }
0x30: {  	s29 =	sadd.s32 $0x14, s28;
	[sflag:s16] =	ssyncadd.s32 $0xFFFFD800  }
0x31: {  	[tilespmem:s4], [sflag:$0x3] =	stream.linear.gather [hbm4b:s29+s4], $0x50, $0x38;
	[tilespmem:$0x18E00] =	vst v63  }
0x32: {  	_ =	swait.ge [sflag:s16], $0x50  }
0x33: {  	[sflag:s16] =	ssyncset.done $0x0  }
0x34: {  	[sflag:s16] =	ssyncadd.s32 $0xFFFFFFB0  }
0x35: {  	[tilespmem:s18], [sflag:$0x1] =	stream.indirect.gather [hbm4b:s12+s17], $0x80, s4, s17, $0xb8;
	[tilespmem:$0x18E00] =	vst v63  }
0x36: {  	s26 =	sadd.s32 $0xA, s26  }
0x37: {  	[tilespmem:s23], [sflag:$0x3] =	stream.linear.gather [hbm4b:s26+s4], $0x50, $0x38;
	[tilespmem:$0x18E00] =	vst v63  }
0x38: {  	_ =	swait.ge [sflag:s16], $0x50  }
0x39: {  	[sflag:s16] =	ssyncset.done $0x0  }
0x3a: {  	[sflag:s16] =	ssyncadd.s32 $0xFFFFFFB0  }
0x3b: {  	_ =	swait.ge [sflag:s24], $0x2800  }
0x3c: {  	[sflag:s24] =	ssyncset.done $0x0  }
0x3d: {  	[sflag:s24] =	ssyncadd.s32 $0xFFFFD800  }
0x3e: {  	[spmem:s2] =	stream.indirect.scatter.add.f32 [tilespmem:s20], [sflag:$0x3], $0x80, s23, s17, $0xb8;
	[tilespmem:$0x18E00] =	vst v63  }
0x3f: {  	_ =	swait.ge [sflag:s16], $0x2800  }
0x40: {  	[sflag:s16] =	ssyncset.done $0x0  }
0x41: {  	s31 =	sadd.s32 $0x1E, s28;
	[sflag:s16] =	ssyncadd.s32 $0xFFFFD800  }
0x42: {  	[tilespmem:s19], [sflag:$0x3] =	stream.linear.gather [hbm4b:s31+s4], $0x50, $0x38;
	[tilespmem:$0x18E00] =	vst v63  }
0x43: {  	_ =	swait.ge [sflag:s16], $0x50  }
0x44: {  	[sflag:s16] =	ssyncset.done $0x0  }
0x45: {  	s26 =	simm.s32 $0x14;
	[sflag:s16] =	ssyncadd.s32 $0xFFFFFFB0  }
.LBB2_2:
0x46: {  	[tilespmem:s20], [sflag:$0x2] =	stream.indirect.gather [hbm4b:s12+s17], $0x80, s19, s17, $0xb8;
	[tilespmem:$0x18E00] =	vst v63  }
0x47: {  	s28 =	smov.u32 s26  }
0x48: {  	p0 =	sne.s32 s26, $0x99C;
	s26 =	sadd.s32 $0x14, s26;
	s29 =	sadd.s32 s28, s14  }
0x49: {  	[tilespmem:s21], [sflag:$0x3] =	stream.linear.gather [hbm4b:s29+s4], $0x50, $0x38;
	[tilespmem:$0x18E00] =	vst v63  }
0x4a: {  	_ =	swait.ge [sflag:s16], $0x50  }
0x4b: {  	[sflag:s16] =	ssyncset.done $0x0  }
0x4c: {  	[sflag:s16] =	ssyncadd.s32 $0xFFFFFFB0  }
0x4d: {  	_ =	swait.ge [sflag:s22], $0x2800  }
0x4e: {  	[sflag:s22] =	ssyncset.done $0x0  }
0x4f: {  	[sflag:s22] =	ssyncadd.s32 $0xFFFFD800  }
0x50: {  	[spmem:s2] =	stream.indirect.scatter.add.f32 [tilespmem:s18], [sflag:$0x3], $0x80, s21, s17, $0xb8;
	[tilespmem:$0x18E00] =	vst v63  }
0x51: {  	_ =	swait.ge [sflag:s16], $0x2800  }
0x52: {  	s28 =	sadd.s32 s28, s13;
	[sflag:s16] =	ssyncset.done $0x0  }
0x53: {  	s30 =	sadd.s32 $0x14, s28;
	[sflag:s16] =	ssyncadd.s32 $0xFFFFD800  }
0x54: {  	[tilespmem:s4], [sflag:$0x3] =	stream.linear.gather [hbm4b:s30+s4], $0x50, $0x38;
	[tilespmem:$0x18E00] =	vst v63  }
0x55: {  	_ =	swait.ge [sflag:s16], $0x50  }
0x56: {  	[sflag:s16] =	ssyncset.done $0x0  }
0x57: {  	[sflag:s16] =	ssyncadd.s32 $0xFFFFFFB0  }
0x58: {  	[tilespmem:s18], [sflag:$0x1] =	stream.indirect.gather [hbm4b:s12+s17], $0x80, s4, s17, $0xb8;
	[tilespmem:$0x18E00] =	vst v63  }
0x59: {  	s29 =	sadd.s32 $0xA, s29  }
0x5a: {  	[tilespmem:s23], [sflag:$0x3] =	stream.linear.gather [hbm4b:s29+s4], $0x50, $0x38;
	[tilespmem:$0x18E00] =	vst v63  }
0x5b: {  	_ =	swait.ge [sflag:s16], $0x50  }
0x5c: {  	[sflag:s16] =	ssyncset.done $0x0  }
0x5d: {  	[sflag:s16] =	ssyncadd.s32 $0xFFFFFFB0  }
0x5e: {  	_ =	swait.ge [sflag:s24], $0x2800  }
0x5f: {  	[sflag:s24] =	ssyncset.done $0x0  }
0x60: {  	[sflag:s24] =	ssyncadd.s32 $0xFFFFD800  }
0x61: {  	[spmem:s2] =	stream.indirect.scatter.add.f32 [tilespmem:s20], [sflag:$0x3], $0x80, s23, s17, $0xb8;
	[tilespmem:$0x18E00] =	vst v63  }
0x62: {  	_ =	swait.ge [sflag:s16], $0x2800  }
0x63: {  	[sflag:s16] =	ssyncset.done $0x0  }
.Ltmp0:
0x64: {  	s28 =	sadd.s32 $0x1E, s28;
	[sflag:s16] =	ssyncadd.s32 $0xFFFFD800;
	(pc) =	sbr.rel @p0 .LBB2_2-.Ltmp0, $4  }
0x65: {  	[tilespmem:s19], [sflag:$0x3] =	stream.linear.gather [hbm4b:s28+s4], $0x50, $0x38;
	[tilespmem:$0x18E00] =	vst v63  }
0x66: {  	_ =	swait.ge [sflag:s16], $0x50  }
0x67: {  	[sflag:s16] =	ssyncset.done $0x0  }
0x68: {  	[sflag:s16] =	ssyncadd.s32 $0xFFFFFFB0  }
0x69: {  	[tilespmem:s20], [sflag:$0x2] =	stream.indirect.gather [hbm4b:s12+s17], $0x80, s19, s17, $0xb8;
	[tilespmem:$0x18E00] =	vst v63  }
0x6a: {  	_ = 	snop  }
0x6b: {  	[tilespmem:s21], [sflag:$0x3] =	stream.linear.gather [hbm4b:s10+s4], $0x50, $0x38;
	[tilespmem:$0x18E00] =	vst v63  }
0x6c: {  	_ =	swait.ge [sflag:s16], $0x50  }
0x6d: {  	[sflag:s16] =	ssyncset.done $0x0  }
0x6e: {  	[sflag:s16] =	ssyncadd.s32 $0xFFFFFFB0  }
0x6f: {  	_ =	swait.ge [sflag:s22], $0x2800  }
0x70: {  	[sflag:s22] =	ssyncset.done $0x0  }
0x71: {  	[sflag:s22] =	ssyncadd.s32 $0xFFFFD800  }
0x72: {  	[spmem:s2] =	stream.indirect.scatter.add.f32 [tilespmem:s18], [sflag:$0x3], $0x80, s21, s17, $0xb8;
	[tilespmem:$0x18E00] =	vst v63  }
0x73: {  	_ =	swait.ge [sflag:s16], $0x2800  }
0x74: {  	[sflag:s16] =	ssyncset.done $0x0  }
0x75: {  	[sflag:s16] =	ssyncadd.s32 $0xFFFFD800  }
0x76: {  	[tilespmem:s23], [sflag:$0x3] =	stream.linear.gather [hbm4b:s11+s4], $0x50, $0x38;
	[tilespmem:$0x18E00] =	vst v63  }
0x77: {  	_ =	swait.ge [sflag:s16], $0x50  }
0x78: {  	[sflag:s16] =	ssyncset.done $0x0  }
0x79: {  	[sflag:s16] =	ssyncadd.s32 $0xFFFFFFB0  }
0x7a: {  	_ =	swait.ge [sflag:s24], $0x2800  }
0x7b: {  	[sflag:s24] =	ssyncset.done $0x0  }
0x7c: {  	[sflag:s24] =	ssyncadd.s32 $0xFFFFD800  }
0x7d: {  	[spmem:s2] =	stream.indirect.scatter.add.f32 [tilespmem:s20], [sflag:$0x3], $0x80, s23, s17, $0xb8;
	[tilespmem:$0x18E00] =	vst v63  }
0x7e: {  	_ =	swait.ge [sflag:s16], $0x2800  }
0x7f: {  	s25 =	sadd.s32 $0x1, s25;
	[sflag:s16] =	ssyncset.done $0x0  }
0x80: {  	p0 =	sne.s32 s25, s9;
	[sflag:s16] =	ssyncadd.s32 $0xFFFFD800  }
.Ltmp1:
0x81: {  	[bflag:$0x0] =	sbarrier.arrive $0xFFFF;
	(pc) =	sbr.rel @p0 .LBB2_1-.Ltmp1, $4  }
0x82: {  	[hbm:s8], [sflag:s5] =	dma.local [spmem:s15], $0x2780  }
0x83: {  	_ =	swait.ge [sflag:s16], $0x2780  }
0x84: {  	[sflag:s16] =	ssyncset.done $0x0  }
0x85: {  	[sflag:s16] =	ssyncadd.s32 $0xFFFFD880  }
0x86: {  	_ =	sfence.sel $0x180000  }
0x87: {  	[bflag:$0x0] =	sbarrier.arrive $0xFFFF  }
0x88: {  	p0 =	sne.s32 s3, $0x0;
	_ =	strace $0x9000004D  }
0x89: {  	s0 =	sadd.s32 @!p0 $0x100000, s0;
	[bflag:$0x2] =	sbarrier.arrive $0xFFFF  }
0x8a: {  	[sflag:s0] =	ssyncadd.tile.s32 @!p0 $0x1;
	_ =	shalt  }
.Lfunc_end2:
_tile_overlayer_lowered:
.L_overlay_start_2:
0x8b: {  	(tag) =	ssettag $0x2  }
0x8c: {  	s0 =	rddreg [dreg:$0x0];
	s2 =	stileid.u32  }
0x8d: {  	s1 =	rddreg [dreg:$0x1];
	p0 =	sne.s32 s2, $0x0  }
0x8e: {  	s3 =	rddreg [dreg:$0x2];
	[bflag:$0x3] =	sbarrier.arrive $0xFFFF;
	s2 =	simm.s32 @!p0 $0x1C03  }
0x8f: {  	[timem:s3], [sflag:s2] =	dma.local @!p0 [hbm:s0], s1  }
0x90: {  	s0 =	simm.s32 @!p0 $0x3  }
0x91: {  	_ =	swait.ge @!p0 [sflag:s0], s1  }
0x92: {  	s1 =	ssub.s32 @!p0 $0x0, s1;
	[sflag:s0] =	ssyncset.done @!p0 $0x0  }
0x93: {  	[sflag:s0] =	ssyncadd.s32 @!p0 s1  }
0x94: {  	[bflag:$0x3] =	sbarrier.arrive $0xFFFF  }
0x95: {  	_ =	shalt  }

// kernel: kernel.8.cloned.1.call-start
scs
__scs_entry_jumppad:
0x0: {  	(pc) =	sbr.rel $0x88, $3  }
0x1: {  	(tag) =	ssettag $0x0;
	lr =	simm.s32 $0x1  }
0x2: {  	[smem:$0x3F97] =	sst lr;
	_ =	strace $0xD0000000  }
0x3: {  	_ = 	snop  }
0x4: {  	_ = 	snop  }
0x5: {  	_ = 	snop  }
0x6: {  	_ = 	snop  }
0x7: {  	_ = 	snop  }
__scs_overlays_trampoline_lowered:
0x8: {  	[smem:$0x3FA6] =	sst s0  }
0x9: {  	[smem:$0x3FA7] =	sst s1  }
0xa: {  	[smem:$0x3FA8] =	sst s2  }
0xb: {  	[smem:$0x3FA9] =	sst s3  }
0xc: {  	[smem:$0x3FAA] =	sst s4  }
0xd: {  	[smem:$0x3FAB] =	sst s5  }
0xe: {  	[smem:$0x3FAC] =	sst s6  }
0xf: {  	[smem:$0x3FAD] =	sst s7  }
0x10: {  	[smem:$0x3FAE] =	sst s8  }
0x11: {  	[smem:$0x3FAF] =	sst s9;
	s0 =	simm.s32 @!p0 $0x0  }
0x12: {  	s1 =	sld [smem:$0x3F95];
	s0 =	simm.s32 @p0 $0x1  }
0x13: {  	[smem:$0x3FB0] =	sst s0;
	s0 =	simm.s32 @!p1 $0x0  }
0x14: {  	s2 =	sld [smem:$0x3F94];
	s0 =	simm.s32 @p1 $0x1  }
0x15: {  	[smem:$0x3FB1] =	sst s0;
	s0 =	simm.s32 @!p2 $0x0  }
0x16: {  	s3 =	sld [smem:$0x3FDB];
	s0 =	simm.s32 @p2 $0x1  }
0x17: {  	s4 =	simm.s32 $0x1BF5;
	[smem:$0x3FB3] =	sst s0  }
0x18: {  	s0 =	sld [smem:$0x3F96];
	_ =	swait.ge [sflag:s4], $0x0  }
0x19: {  	s7 =	sld [smem:$0x3F97]  }
0x1a: {  	s8 =	sadd.s32 $0xFFFFE003, lr  }
0x1b: {  	s9 =	sadd.s32 $0xFFFFFEF7, lr;
	s5 =	simm.s32 $0xFFFFFFFF;
	p2 =	slt.u32 s8, $0xFFFFF086  }
0x1c: {  	p1 =	slt.u32 s9, $0xF7A;
	s5 =	simm.s32 @!p2 $0x0  }
0x1d: {  	s5 =	simm.s32 @p1 $0x1;
	p0 =	seq.s32 s7, s2  }
0x1e: {  	s7 =	smul.u32 @!p0 $0xF7A, s2;
	p2 =	seq.s32 @!p0 s5, $0x0  }
0x1f: {  	s9 =	smul.u32 $0xF7A, s1;
	s8 =	simm.s32 @!p0 $0x1BF5;
	p2 =	por !p2, p0  }
0x20: {  	[sflag:s8] =	ssyncset.s32 @!p0 $0xFFFFF086;
	s6 =	sadd.s32 @!p0 s3, s7;
	s7 =	simm.s32 @!p0 $0x108  }
0x21: {  	s3 =	sadd.s32 s3, s9;
	s6 =	sadd.s32 @!p0 $0x88, s6;
	s7 =	simm.s32 @p2 $0x1082  }
0x22: {  	[simem:s7], [sflag:s8] =	dma.local @!p0 [hbm:s6], $0xF7A  }
0x23: {  	s9 =	sor.u32 $0xD0000000, s2;
	s6 =	simm.s32 $0x108;
	_ =	swait.ge @!p0 [sflag:s8], $0x0  }
0x24: {  	s3 =	sadd.s32 $0x88, s3;
	s6 =	simm.s32 @!p1 $0x1082;
	[sflag:s4] =	ssyncset.s32 $0xFFFFF086  }
0x25: {  	[simem:s6], [sflag:s4] =	dma.local [hbm:s3], $0xF7A  }
0x26: {  	[smem:$0x3F97] =	sst s1;
	(tag) =	ssettag s2;
	_ =	strace s9  }
0x27: {  	s1 =	sld [smem:$0x3FA7]  }
0x28: {  	s2 =	sld [smem:$0x3FA8]  }
0x29: {  	s4 =	sld [smem:$0x3FAA]  }
0x2a: {  	p0 =	seq.s32 s5, $0x0;
	s5 =	sld [smem:$0x3FAB]  }
0x2b: {  	s6 =	sld [smem:$0x3FAC]  }
0x2c: {  	s7 =	sld [smem:$0x3FAD]  }
0x2d: {  	s3 =	simm.s32 $0x108;
	s8 =	sld [smem:$0x3FAE]  }
0x2e: {  	s3 =	simm.s32 @!p0 $0x1082;
	s9 =	sld [smem:$0x3FAF]  }
0x2f: {  	lr =	sadd.s32 s0, s3;
	s0 =	sld [smem:$0x3FA6]  }
0x30: {  	s3 =	sld [smem:$0x3FA9]  }
0x31: {  	[smem:$0x3FB2] =	sst s10  }
0x32: {  	s10 =	sld [smem:$0x3FB0];
	_ =	sdelay $0x3  }
0x33: {  	p0 =	seq.s32 s10, $0x1;
	s10 =	sld [smem:$0x3FB2];
	_ =	sdelay $0x3  }
0x34: {  	[smem:$0x3FB2] =	sst s10  }
0x35: {  	s10 =	sld [smem:$0x3FB1];
	_ =	sdelay $0x3  }
0x36: {  	p1 =	seq.s32 s10, $0x1;
	s10 =	sld [smem:$0x3FB2];
	_ =	sdelay $0x3  }
0x37: {  	[smem:$0x3FB2] =	sst s10  }
0x38: {  	s10 =	sld [smem:$0x3FB3]  }
0x39: {  	_ = 	snop;
	(pc) =	sbr.ind lr, $3  }
0x3a: {  	_ = 	snop  }
0x3b: {  	_ = 	snop  }
0x3c: {  	p2 =	seq.s32 s10, $0x1;
	s10 =	sld [smem:$0x3FB2]  }
0x3d: {  	_ =	shalt  }
0x3e: {  	_ =	shalt  }
0x3f: {  	_ =	shalt  }
0x40: {  	_ =	shalt  }
0x41: {  	_ =	shalt  }
0x42: {  	_ =	shalt  }
0x43: {  	_ =	shalt  }
0x44: {  	_ =	shalt  }
0x45: {  	_ =	shalt  }
0x46: {  	_ =	shalt  }
0x47: {  	_ =	shalt  }
0x48: {  	_ =	shalt  }
0x49: {  	_ =	shalt  }
0x4a: {  	_ =	shalt  }
0x4b: {  	_ =	shalt  }
0x4c: {  	_ =	shalt  }
0x4d: {  	_ =	shalt  }
0x4e: {  	_ =	shalt  }
0x4f: {  	_ =	shalt  }
0x50: {  	_ =	shalt  }
0x51: {  	_ =	shalt  }
0x52: {  	_ =	shalt  }
0x53: {  	_ =	shalt  }
0x54: {  	_ =	shalt  }
0x55: {  	_ =	shalt  }
0x56: {  	_ =	shalt  }
0x57: {  	_ =	shalt  }
0x58: {  	_ =	shalt  }
0x59: {  	_ =	shalt  }
0x5a: {  	_ =	shalt  }
0x5b: {  	_ =	shalt  }
0x5c: {  	_ =	shalt  }
0x5d: {  	_ =	shalt  }
0x5e: {  	_ =	shalt  }
0x5f: {  	_ =	shalt  }
0x60: {  	_ =	shalt  }
0x61: {  	_ =	shalt  }
0x62: {  	_ =	shalt  }
0x63: {  	_ =	shalt  }
0x64: {  	_ =	shalt  }
0x65: {  	_ =	shalt  }
0x66: {  	_ =	shalt  }
0x67: {  	_ =	shalt  }
0x68: {  	_ =	shalt  }
0x69: {  	_ =	shalt  }
0x6a: {  	_ =	shalt  }
0x6b: {  	_ =	shalt  }
0x6c: {  	_ =	shalt  }
0x6d: {  	_ =	shalt  }
0x6e: {  	_ =	shalt  }
0x6f: {  	_ =	shalt  }
0x70: {  	_ =	shalt  }
0x71: {  	_ =	shalt  }
0x72: {  	_ =	shalt  }
0x73: {  	_ =	shalt  }
0x74: {  	_ =	shalt  }
0x75: {  	_ =	shalt  }
0x76: {  	_ =	shalt  }
0x77: {  	_ =	shalt  }
0x78: {  	_ =	shalt  }
0x79: {  	_ =	shalt  }
0x7a: {  	_ =	shalt  }
0x7b: {  	_ =	shalt  }
0x7c: {  	_ =	shalt  }
0x7d: {  	_ =	shalt  }
0x7e: {  	_ =	shalt  }
0x7f: {  	_ =	shalt  }
0x80: {  	_ =	shalt  }
0x81: {  	_ =	shalt  }
0x82: {  	_ =	shalt  }
0x83: {  	_ =	shalt  }
0x84: {  	_ =	shalt  }
0x85: {  	_ =	shalt  }
0x86: {  	_ =	shalt  }
0x87: {  	_ =	shalt  }
.Lfunc_end0:
.L_simem_size_0:
called_computation_lowered:
.L_overlay_start_0:
0x88: {  	s2 =	sld [smem:$0x3FD9]  }
0x89: {  	s3 =	sld [smem:$0x3FFE];
	_ =	sdelay $0x1  }
0x8a: {  	s1 =	srdreg.scid  }
0x8b: {  	s0 =	sand.u32 $0x1, s1  }
0x8c: {  	s14 =	sshll.u32 s0, $0xA;
	s2 =	sadd.s32 s3, s2  }
0x8d: {  	s2 =	sadd.s32 s2, s14  }
0x8e: {  	[smem:$0x3FBE] =	sst s2  }
0x8f: {  	_ = 	snop  }
0x90: {  	s2 =	sld [smem:$0x3FD0];
	_ =	sdelay $0x2  }
0x91: {  	s15 =	simm.s32 $0xA;
	s4 =	simm.s32 $0x10  }
0x92: {  	[smem:s4], [sflag:s15] =	dma.local [hbm:s2], $0x1  }
0x93: {  	_ =	swait.eq [sflag:s15], $0x1  }
0x94: {  	[sflag:s15] =	ssyncset.done $0x0  }
0x95: {  	[sflag:s15] =	ssyncadd.s32 $0xFFFFFFFF  }
0x96: {  	s16 =	sld [smem:$0x11];
	(tm) =	ssettm $0x1  }
0x97: {  	s17 =	sld [smem:$0x3FFB];
	_ =	sdelay $0x3  }
0x98: {  	_ =	strace s17  }
0x99: {  	s3 =	sld [smem:$0x3FFC];
	_ =	sdelay $0x3  }
0x9a: {  	_ =	strace s3  }
0x9b: {  	s3 =	sld [smem:$0x3FFD];
	_ =	sdelay $0x3  }
0x9c: {  	_ =	strace s3  }
0x9d: {  	_ =	strace $0x8FFFFFFF  }
0x9e: {  	s18 =	sld [smem:$0x3FDB];
	_ =	sdelay $0x1  }
0x9f: {  	s19 =	simm.s32 $_scs_section_size  }
0xa0: {  	s5 =	simm.s32 $_size__tile_overlayer_lowered;
	s6 =	simm.s32 $_tile_overlayer_lowered  }
0xa1: {  	s22 =	simm.s32 $0x1BFF;
	s21 =	sshll.u32 s6, $0x1;
	s3 =	sadd.s32 s19, s18  }
0xa2: {  	s7 =	simm.s32 $0x0;
	s20 =	sshll.u32 s5, $0x1;
	s5 =	sadd.s32 s21, s3  }
0xa3: {  	[timem:s7], [sflag:s22] =	dma.local [hbm:s5], s20  }
0xa4: {  	_ =	swait.ge [sflag:s22], s20  }
0xa5: {  	s4 =	ssub.s32 $0x0, s20;
	[sflag:s22] =	ssyncset.done $0x0  }
0xa6: {  	[sflag:s22] =	ssyncadd.s32 s4;
	_ =	sdelay $0x1  }
0xa7: {  	s23 =	simm.s32 $0x1B8B  }
0xa8: {  	_ =	swait.ge [sflag:s23], $0x1  }
0xa9: {  	[sflag:s23] =	ssyncset.done $0x0  }
0xaa: {  	s25 =	simm.s32 $0x1B8E;
	s24 =	sld [smem:$0x3FFE];
	[sflag:s23] =	ssyncadd.s32 $0xFFFFFFFF  }
0xab: {  	s26 =	simm.s32 $execute0_lowered;
	[smem:$0x3FD2] =	sst s25  }
0xac: {  	s5 =	sshll.u32 s26, $0x1;
	_ =	strace $0x80000046;
	[dreg:$0x1] =	wrdreg $0xFFFFFFFF  }
0xad: {  	s28 =	simm.s32 $_size_execute0_lowered;
	s3 =	sadd.s32 s3, s5;
	[dreg:$0x0] =	wrdreg $0x0  }
0xae: {  	s5 =	sshll.u32 s28, $0x1;
	[dreg:$0x2] =	wrdreg s3  }
0xaf: {  	[dreg:$0x3] =	wrdreg s5  }
0xb0: {  	[dreg:$0x4] =	wrdreg $0xC0  }
0xb1: {  	_ =	task [dreg:s7], $0x5FFFF  }
0xb2: {  	[dreg:$0x1] =	wrdreg $0xFFFFFFFF  }
0xb3: {  	[dreg:$0x0] =	wrdreg $0x60  }
0xb4: {  	[dreg:$0x2] =	wrdreg s16  }
0xb5: {  	[dreg:$0x3] =	wrdreg s24  }
0xb6: {  	[dreg:$0x4] =	wrdreg $0x2B000  }
0xb7: {  	[dreg:$0x5] =	wrdreg $0x9  }
0xb8: {  	_ =	task.clear_ibuf [dreg:s7], $0x6FFFF;
	_ =	strace $0x90000046  }
0xb9: {  	s29 =	simm.s32 $0x9;
	_ =	strace $0x80000048  }
0xba: {  	_ =	swait.ge [sflag:s29], $0x1  }
0xbb: {  	[sflag:s29] =	ssyncadd.s32 $0xFFFFFFFF  }
0xbc: {  	_ =	strace $0x90000048  }
0xbd: {  	_ =	sfence  }
0xbe: {  	s30 =	sld [smem:$0x0];
	_ =	sdelay $0x2  }
0xbf: {  	s31 =	sshll.u32 s1, $0xD;
	s1 =	sshrl.u32 s1, $0x2  }
0xc0: {  	s3 =	sand.u32 $0x4000, s31;
	s1 =	sadd.s32 s1, s30  }
0xc1: {  	s0 =	sor.u32 s3, s0;
	s1 =	sshll.u32 s1, $0x11  }
0xc2: {  	s0 =	sor.u32 s1, s0  }
0xc3: {  	s0 =	sadd.s32 $0x8F2B, s0  }
0xc4: {  	[sflag:s0] =	ssyncadd.remote.s32 $0x1  }
0xc5: {  	_ =	sfence.sel $0xFFFF  }
0xc6: {  	[dreg:$0x0] =	wrdreg $0xFFFFFFFF;
	(pc) =	sbr.abs _section_cstart, $3  }
0xc7: {  	[dreg:$0x1] =	wrdreg $0xFFFFFFFF  }
0xc8: {  	_ =	task.clear_ibuf [dreg:s7], $0x2FFFF;
	_ =	strace $0x9FFFFFFF  }
0xc9: {  	(tm) =	ssettm $0x7FFFFFFF  }
tec
execute0_lowered:
.L_overlay_start_1:
0x0: {  	(tag) =	ssettag $0x1  }
0x1: {  	s4 =	rddreg [dreg:$0x0]  }
0x2: {  	s5 =	rddreg [dreg:$0x1]  }
0x3: {  	s2 =	rddreg [dreg:$0x2]  }
0x4: {  	s0 =	rddreg [dreg:$0x3]  }
0x5: {  	s3 =	simm.s32 $0x0;
	s6 =	srdreg.scid;
	s1 =	stileid.u32  }
0x6: {  	s11 =	simm.s32 $0x2800;
	s14 =	simm.s32 $0x20;
	s15 =	simm.s32 $0x10  }
0x7: {  	s16 =	simm.s32 $0x0;
	[smem:$0x7FF] =	sst s3;
	s7 =	smul.u32 $0x500, s1  }
0x8: {  	s6 =	sand.u32 $0x1, s6;
	s30 =	smul.u32 $0xA00, s1;
	s12 =	sshll.u32 s1, $0x6  }
0x9: {  	_ =	strace $0x80000047;
	s8 =	sshll.u32 s6, $0x7;
	s9 =	sshll.u32 s6, $0x4  }
0xa: {  	s6 =	ssub.s32 $0x2, s6;
	s12 =	sor.u32 $0x1C01, s12;
	s7 =	sor.u32 s8, s7  }
0xb: {  	s29 =	sor.u32 s1, s9;
	s31 =	sshrl.u32 s6, $0x1;
	s9 =	sshrl.u32 s30, $0x2  }
0xc: {  	s7 =	sshrl.u32 s7, $0x3;
	s8 =	smul.u32 $0x500, s29;
	s10 =	ssub.s32 s6, s31  }
0xd: {  	s7 =	sadd.s32 s7, s5;
	s5 =	sadd.s32 s9, s2;
	s9 =	simm.s32 $0x2880  }
0xe: {  	s4 =	sadd.s32 s4, s8;
	s6 =	sadd.s32 $0xDC00, s7;
	s7 =	smax.u32 s10, $0x1  }
0xf: {  	v0 =	vimm.f32 $0.0e+00;
	v1 =	vimm.f32 $1.000000000e+00;
	s8 =	simm.s32 $0x1;
	s10 =	simm.s32 $0x80;
	s13 =	sshrl.u32 s5, $0x3  }
.LBB2_1:
0x10: {  	[tilespmem:$0x2880] =	vst v0  }
0x11: {  	[tilespmem:$0x2890] =	vst v0  }
0x12: {  	[tilespmem:$0x28A0] =	vst v0  }
0x13: {  	[tilespmem:$0x28B0] =	vst v0  }
0x14: {  	[tilespmem:$0x28C0] =	vst v0  }
0x15: {  	[tilespmem:$0x28D0] =	vst v0  }
0x16: {  	[tilespmem:$0x28E0] =	vst v0  }
0x17: {  	[tilespmem:$0x28F0] =	vst v0  }
0x18: {  	[tilespmem:$0x2900] =	vst v0  }
0x19: {  	[tilespmem:$0x2910] =	vst v0  }
0x1a: {  	[tilespmem:$0x2920] =	vst v0  }
0x1b: {  	[tilespmem:$0x2930] =	vst v0  }
0x1c: {  	[tilespmem:$0x2940] =	vst v0  }
0x1d: {  	[tilespmem:$0x2950] =	vst v0  }
0x1e: {  	[tilespmem:$0x2960] =	vst v0  }
0x1f: {  	[tilespmem:$0x2970] =	vst v0  }
0x20: {  	[tilespmem:$0x2980] =	vst v0  }
0x21: {  	[tilespmem:$0x2990] =	vst v0  }
0x22: {  	[tilespmem:$0x29A0] =	vst v0  }
0x23: {  	[tilespmem:$0x29B0] =	vst v0  }
0x24: {  	[tilespmem:$0x29C0] =	vst v0  }
0x25: {  	[tilespmem:$0x29D0] =	vst v0  }
0x26: {  	[tilespmem:$0x29E0] =	vst v0  }
0x27: {  	[tilespmem:$0x29F0] =	vst v0  }
0x28: {  	[tilespmem:$0x2A00] =	vst v0  }
0x29: {  	[tilespmem:$0x2A10] =	vst v0  }
0x2a: {  	[tilespmem:$0x2A20] =	vst v0  }
0x2b: {  	[tilespmem:$0x2A30] =	vst v0  }
0x2c: {  	[tilespmem:$0x2A40] =	vst v0  }
0x2d: {  	[tilespmem:$0x2A50] =	vst v0  }
0x2e: {  	[tilespmem:$0x2A60] =	vst v0  }
0x2f: {  	[tilespmem:$0x2A70] =	vst v0  }
0x30: {  	[tilespmem:$0x2A80] =	vst v0  }
0x31: {  	[tilespmem:$0x2A90] =	vst v0  }
0x32: {  	[tilespmem:$0x2AA0] =	vst v0  }
0x33: {  	[tilespmem:$0x2AB0] =	vst v0  }
0x34: {  	[tilespmem:$0x2AC0] =	vst v0  }
0x35: {  	[tilespmem:$0x2AD0] =	vst v0  }
0x36: {  	[tilespmem:$0x2AE0] =	vst v0  }
0x37: {  	[tilespmem:$0x2AF0] =	vst v0  }
0x38: {  	[tilespmem:$0x2800] =	vst v1  }
0x39: {  	[tilespmem:$0x2810] =	vst v1  }
0x3a: {  	[tilespmem:$0x2820] =	vst v1  }
0x3b: {  	[tilespmem:$0x2830] =	vst v1  }
0x3c: {  	[tilespmem:$0x2840] =	vst v1  }
0x3d: {  	[tilespmem:$0x2850] =	vst v1  }
0x3e: {  	[tilespmem:$0x2860] =	vst v1  }
0x3f: {  	[tilespmem:$0x2870] =	vst v1  }
0x40: {  	[tilespmem:s3], [sflag:$0x1] =	stream.linear.gather [hbm4b:s4+s3], $0x2800, $0x38;
	[tilespmem:$0x2D80] =	vst v63  }
0x41: {  	_ =	swait.ge [sflag:s8], $0x2800  }
0x42: {  	[sflag:s8] =	ssyncset.done $0x0  }
0x43: {  	[sflag:s8] =	ssyncadd.s32 $0xFFFFD800  }
0x44: {  	[spmem:s5] =	stream.linear.scatter [tilespmem:s9], [sflag:$0x1], $0x280, $0x38;
	[tilespmem:$0x2D80] =	vst v63  }
0x45: {  	_ =	swait.ge [sflag:s8], $0x280  }
0x46: {  	[sflag:s8] =	ssyncset.done $0x0  }
0x47: {  	[sflag:s8] =	ssyncadd.s32 $0xFFFFFD80  }
0x48: {  	s17 =	simm.s32 $0x0;
	[bflag:$0x0] =	sbarrier.arrive $0xFFFF  }
0x49: {  	[spmem:s2] =	stream.indirect.scatter.add.f32 [tilespmem:s11], [sflag:$0x1], $0x1, s17, s10, $0xb8;
	[tilespmem:$0x2D80] =	vst v63  }
0x4a: {  	_ =	swait.ge [sflag:s8], $0x80  }
0x4b: {  	s17 =	simm.s32 $0x200;
	[sflag:s8] =	ssyncset.done $0x0  }
.LBB2_2:
0x4c: {  	s18 =	sshra.s32 s17, $0x2;
	[sflag:s8] =	ssyncadd.s32 $0xFFFFFF80;
	p0 =	sne.s32 s17, $0x9E00  }
0x4d: {  	[spmem:s2] =	stream.indirect.scatter.add.f32 [tilespmem:s11], [sflag:$0x1], $0x1, s18, s10, $0xb8;
	[tilespmem:$0x2D80] =	vst v63  }
.Ltmp0:
0x4e: {  	_ = 	snop;
	(pc) =	sbr.rel @p0 .LBB2_2-.Ltmp0, $4  }
0x4f: {  	_ = 	snop  }
0x50: {  	s17 =	sadd.s32 $0x200, s17  }
0x51: {  	_ =	swait.ge [sflag:s8], $0x80  }
0x52: {  	[sflag:s8] =	ssyncset.done $0x0  }
0x53: {  	s16 =	sadd.s32 $0x1, s16  }
0x54: {  	[sflag:s8] =	ssyncadd.s32 $0xFFFFFF80;
	p0 =	sne.s32 s16, s7  }
.Ltmp1:
0x55: {  	[bflag:$0x0] =	sbarrier.arrive $0xFFFF;
	(pc) =	sbr.rel @p0 .LBB2_1-.Ltmp1, $4  }
0x56: {  	[hbm:s6@s14], [sflag:s12] =	dma.strided [spmem:s13@s15], $0x50, s8, $0x10   }
0x57: {  	_ =	swait.ge [sflag:s8], $0x50  }
0x58: {  	[sflag:s8] =	ssyncset.done $0x0  }
0x59: {  	[sflag:s8] =	ssyncadd.s32 $0xFFFFFFB0  }
0x5a: {  	_ =	sfence.sel $0x180000  }
0x5b: {  	[bflag:$0x0] =	sbarrier.arrive $0xFFFF  }
0x5c: {  	p0 =	sne.s32 s1, $0x0;
	_ =	strace $0x90000047  }
0x5d: {  	s0 =	sadd.s32 @!p0 $0x100000, s0;
	[bflag:$0x2] =	sbarrier.arrive $0xFFFF  }
0x5e: {  	[sflag:s0] =	ssyncadd.tile.s32 @!p0 $0x1;
	_ =	shalt  }
.Lfunc_end2:
_tile_overlayer_lowered:
.L_overlay_start_2:
0x5f: {  	(tag) =	ssettag $0x2  }
0x60: {  	s0 =	rddreg [dreg:$0x0];
	s2 =	stileid.u32  }
0x61: {  	s1 =	rddreg [dreg:$0x1];
	p0 =	sne.s32 s2, $0x0  }
0x62: {  	s3 =	rddreg [dreg:$0x2];
	[bflag:$0x3] =	sbarrier.arrive $0xFFFF;
	s2 =	simm.s32 @!p0 $0x1C01  }
0x63: {  	[timem:s3], [sflag:s2] =	dma.local @!p0 [hbm:s0], s1  }
0x64: {  	s0 =	simm.s32 @!p0 $0x1  }
0x65: {  	_ =	swait.ge @!p0 [sflag:s0], s1  }
0x66: {  	s1 =	ssub.s32 @!p0 $0x0, s1;
	[sflag:s0] =	ssyncset.done @!p0 $0x0  }
0x67: {  	[sflag:s0] =	ssyncadd.s32 @!p0 s1  }
0x68: {  	[bflag:$0x3] =	sbarrier.arrive $0xFFFF  }
0x69: {  	_ =	shalt  }

</sc_bundles>
